<compile_context>
chip_gen: v7x
topology: tpu7x:2x2x1
jax: 0.10.2.dev20260603
libtpu: 0.0.44.dev20260713+nightly
codegen_flags: <defaults>
</compile_context>

<pallas_src>
import functools

import jax
import jax.numpy as jnp
from jax import lax
from jax.experimental import pallas as pl
from jax.experimental.pallas import tpu as pltpu
from jax.experimental.pallas import tpu_sc as plsc

_NC = 2
_NS = 16
_K = 80


def _worker_split(N):
  rps = (N // _NS) // 8 * 8
  tail0 = _NS * rps
  return rps, tail0, N - tail0


def _build_seg_sum(N, D, E):
  K = 80
  NW = _NC * _NS
  per_w = E // NW
  n_chunks = per_w // K
  rps, tail0, tail = _worker_split(N)
  mesh = plsc.VectorSubcoreMesh(core_axis_name="c", subcore_axis_name="s")

  @functools.partial(
      pl.kernel, mesh=mesh,
      out_type=jax.ShapeDtypeStruct((_NC * N, D), jnp.float32),
      scratch_types=[
          pltpu.VMEM((K,), jnp.int32),
          pltpu.VMEM((K,), jnp.int32),
          pltpu.VMEM((K,), jnp.int32),
          pltpu.VMEM((K,), jnp.int32),
          pltpu.VMEM((K, D), jnp.float32),
          pltpu.VMEM((K, D), jnp.float32),
          pltpu.VMEM_SHARED((N, D), jnp.float32),
          pltpu.SemaphoreType.DMA,
          pltpu.SemaphoreType.DMA,
          pltpu.SemaphoreType.DMA,
          pltpu.SemaphoreType.DMA,
      ])
  def seg_sum(x_hbm, src_hbm, dst_hbm, zeros_hbm, out_hbm,
              s0, s1, d0, d1, rows0, rows1, acc_sh,
              isem0, isem1, gsem0, gsem1):
    cid = lax.axis_index("c")
    sid = lax.axis_index("s")
    wid = sid * _NC + cid
    r0 = sid * rps
    base0 = wid * per_w

    def idx_start(i, sv, dv, isem):
      pltpu.async_copy(src_hbm.at[pl.ds(base0 + i * K, K)], sv, isem)
      pltpu.async_copy(dst_hbm.at[pl.ds(base0 + i * K, K)], dv, isem)

    def idx_wait(i, sv, dv, isem):
      pltpu.make_async_copy(src_hbm.at[pl.ds(base0 + i * K, K)], sv,
                            isem).wait()
      pltpu.make_async_copy(dst_hbm.at[pl.ds(base0 + i * K, K)], dv,
                            isem).wait()

    def gather_start(sv, rows, gsem):
      pltpu.async_copy(x_hbm.at[sv], rows, gsem)

    def gather_wait(sv, rows, gsem):
      pltpu.make_async_copy(x_hbm.at[sv], rows, gsem).wait()

    pltpu.sync_copy(zeros_hbm.at[pl.ds(r0, rps)], acc_sh.at[pl.ds(r0, rps)])
    if tail:
      @pl.when(sid == 0)
      def _():
        pltpu.sync_copy(zeros_hbm.at[pl.ds(tail0, tail)],
                        acc_sh.at[pl.ds(tail0, tail)])
    idx_start(0, s0, d0, isem0)
    idx_start(1, s1, d1, isem1)
    plsc.subcore_barrier()

    idx_wait(0, s0, d0, isem0)
    gather_start(s0, rows0, gsem0)

    @pl.loop(0, n_chunks, step=2)
    def _(i):
      @pl.when(i + 1 < n_chunks)
      def _():
        idx_wait(i + 1, s1, d1, isem1)
        gather_start(s1, rows1, gsem1)

      gather_wait(s0, rows0, gsem0)
      pltpu.sync_copy(rows0, acc_sh.at[d0], add=True)

      @pl.when(i + 2 < n_chunks)
      def _():
        idx_start(i + 2, s0, d0, isem0)

      @pl.when(i + 1 < n_chunks)
      def _():
        gather_wait(s1, rows1, gsem1)

      @pl.when(i + 2 < n_chunks)
      def _():
        idx_wait(i + 2, s0, d0, isem0)
        gather_start(s0, rows0, gsem0)

      @pl.when(i + 1 < n_chunks)
      def _():
        pltpu.sync_copy(rows1, acc_sh.at[d1], add=True)

      @pl.when(i + 3 < n_chunks)
      def _():
        idx_start(i + 3, s1, d1, isem1)

    plsc.subcore_barrier()
    pltpu.sync_copy(acc_sh.at[pl.ds(r0, rps)],
                    out_hbm.at[pl.ds(cid * N + r0, rps)])
    if tail:
      @pl.when(sid == 0)
      def _():
        pltpu.sync_copy(acc_sh.at[pl.ds(tail0, tail)],
                        out_hbm.at[pl.ds(cid * N + tail0, tail)])

  return seg_sum


def _build_count(N, D, E):
  NW = _NC * _NS
  per_w = E // NW
  n_chunks = per_w // _K
  rps, tail0, tail = _worker_split(N)
  mesh = plsc.VectorSubcoreMesh(core_axis_name="c", subcore_axis_name="s")

  @functools.partial(
      pl.kernel, mesh=mesh,
      out_type=jax.ShapeDtypeStruct((_NC * N, D), jnp.float32),
      scratch_types=[
          pltpu.VMEM((_K,), jnp.int32),
          pltpu.VMEM((_K,), jnp.int32),
          pltpu.VMEM((_K, D), jnp.float32),
          pltpu.VMEM_SHARED((N, D), jnp.float32),
          pltpu.SemaphoreType.DMA,
          pltpu.SemaphoreType.DMA,
      ])
  def count(dst_hbm, zeros_hbm, ones_hbm, out_hbm,
            d0, d1, ones_v, cnt_sh, isem0, isem1):
    cid = lax.axis_index("c")
    sid = lax.axis_index("s")
    wid = sid * _NC + cid
    r0 = sid * rps
    base0 = wid * per_w

    def idx_start(i, dv, isem):
      pltpu.async_copy(dst_hbm.at[pl.ds(base0 + i * _K, _K)], dv, isem)

    def idx_wait(i, dv, isem):
      pltpu.make_async_copy(dst_hbm.at[pl.ds(base0 + i * _K, _K)], dv,
                            isem).wait()

    pltpu.sync_copy(zeros_hbm.at[pl.ds(r0, rps)], cnt_sh.at[pl.ds(r0, rps)])
    pltpu.sync_copy(ones_hbm, ones_v)
    if tail:
      @pl.when(sid == 0)
      def _():
        pltpu.sync_copy(zeros_hbm.at[pl.ds(tail0, tail)],
                        cnt_sh.at[pl.ds(tail0, tail)])
    idx_start(0, d0, isem0)
    plsc.subcore_barrier()

    @pl.loop(0, n_chunks, step=2)
    def _(i):
      idx_wait(i, d0, isem0)

      @pl.when(i + 1 < n_chunks)
      def _():
        idx_start(i + 1, d1, isem1)

      pltpu.sync_copy(ones_v, cnt_sh.at[d0], add=True)

      @pl.when(i + 2 < n_chunks)
      def _():
        idx_start(i + 2, d0, isem0)

      @pl.when(i + 1 < n_chunks)
      def _():
        idx_wait(i + 1, d1, isem1)
        pltpu.sync_copy(ones_v, cnt_sh.at[d1], add=True)

    plsc.subcore_barrier()
    pltpu.sync_copy(cnt_sh.at[pl.ds(r0, rps)],
                    out_hbm.at[pl.ds(cid * N + r0, rps)])
    if tail:
      @pl.when(sid == 0)
      def _():
        pltpu.sync_copy(cnt_sh.at[pl.ds(tail0, tail)],
                        out_hbm.at[pl.ds(cid * N + tail0, tail)])

  return count


def _dot_t(a, w):
  return lax.dot_general(a, w, (((1,), (1,)), ((), ())),
                         precision=lax.Precision.HIGHEST,
                         preferred_element_type=jnp.float32)


_BN = 1000


def _dense_layer0(x, Sa, Sb, Ca, Cb, Wl0, bl0, Wr0):
  N, D = x.shape
  nb = N // _BN

  def body(x_ref, sa_ref, sb_ref, ca_ref, cb_ref, wl_ref, bl_ref, wr_ref,
           out_ref, st_ref):
    i = pl.program_id(0)
    S0 = sa_ref[...] + sb_ref[...]
    cnt = ca_ref[...] + cb_ref[...]
    agg = S0 / jnp.maximum(cnt, 1.0)
    h = _dot_t(agg, wl_ref[...]) + bl_ref[...] + _dot_t(x_ref[...],
                                                        wr_ref[...])
    h = jnp.maximum(h, 0.0)
    out_ref[...] = h
    st = jnp.concatenate(
        [jnp.sum(h, axis=0, keepdims=True),
         jnp.sum(h * h, axis=0, keepdims=True)], axis=0)

    @pl.when(i == 0)
    def _():
      st_ref[...] = st

    @pl.when(i > 0)
    def _():
      st_ref[...] = st_ref[...] + st

  row = pl.BlockSpec((_BN, D), lambda i: (i, 0))
  mat = pl.BlockSpec((D, D), lambda i: (0, 0))
  vec = pl.BlockSpec((1, D), lambda i: (0, 0))
  return pl.pallas_call(
      body,
      grid=(nb,),
      in_specs=[row, row, row, row, row, mat, vec, mat],
      out_specs=[row, pl.BlockSpec((2, D), lambda i: (0, 0))],
      out_shape=[jax.ShapeDtypeStruct((N, D), jnp.float32),
                 jax.ShapeDtypeStruct((2, D), jnp.float32)],
  )(x, Sa, Sb, Ca, Cb, Wl0, bl0.reshape(1, D), Wr0)


def _dense_layer1(h0, Sa, Sb, Ca, Cb, Wl1, bl1, Wr1, a, c):
  N, D = h0.shape
  nb = N // _BN

  def body(h_ref, sa_ref, sb_ref, ca_ref, cb_ref, wl_ref, bl_ref, wr_ref,
           a_ref, c_ref, out_ref):
    S1 = sa_ref[...] + sb_ref[...]
    cnt = ca_ref[...] + cb_ref[...]
    agg = S1 / jnp.maximum(cnt, 1.0)
    agg_bn = agg * a_ref[...] + c_ref[...]
    h_bn = h_ref[...] * a_ref[...] + c_ref[...]
    h = _dot_t(agg_bn, wl_ref[...]) + bl_ref[...] + _dot_t(h_bn, wr_ref[...])
    out_ref[...] = jnp.maximum(h, 0.0)

  row = pl.BlockSpec((_BN, D), lambda i: (i, 0))
  mat = pl.BlockSpec((D, D), lambda i: (0, 0))
  vec = pl.BlockSpec((1, D), lambda i: (0, 0))
  return pl.pallas_call(
      body,
      grid=(nb,),
      in_specs=[row, row, row, row, row, mat, vec, mat, vec, vec],
      out_specs=row,
      out_shape=jax.ShapeDtypeStruct((N, D), jnp.float32),
  )(h0, Sa, Sb, Ca, Cb, Wl1, bl1.reshape(1, D), Wr1, a.reshape(1, D),
    c.reshape(1, D))


def kernel(x, edge_index, Wl0, bl0, Wr0, g0, b0, Wl1, bl1, Wr1):
  N, D = x.shape
  E = edge_index.shape[1]
  src = edge_index[0]
  dst = edge_index[1]
  zeros = jnp.zeros((N, D), jnp.float32)
  ones = jnp.ones((_K, D), jnp.float32)

  cnt = _build_count(N, D, E)(dst, zeros, ones)
  Ca, Cb = cnt[:N], cnt[N:]

  seg = _build_seg_sum(N, D, E)
  S0 = seg(x, src, dst, zeros)
  h0, st = _dense_layer0(x, S0[:N], S0[N:], Ca, Cb, Wl0, bl0, Wr0)

  mu = st[0] / N
  var = st[1] / N - mu * mu
  a = g0 * lax.rsqrt(var + 1e-5)
  c = b0 - mu * a

  S1 = seg(h0, src, dst, zeros)
  return _dense_layer1(h0, S1[:N], S1[N:], Ca, Cb, Wl1, bl1, Wr1, a, c)

# --- scband reference (transcript-rebuilt; emitter-appended) ---
"""Pipeline reference for scband-edcoder-18348100289074 (READ-ONLY COPY).

The authoritative reference and input builder live on the scoring server;
editing this copy changes nothing except your own understanding.
"""

import jax, jax.numpy as jnp
import numpy as np

N = 10000
E = 320000
D = 128
H = 128


def _sage_conv(x, src, dst, Wl, bl, Wr, num_nodes):
    # PyG SAGEConv (aggr='mean'): out = lin_l(mean_j x_j) + lin_r(x_i)
    msg = x[src]  # gather source node features per edge
    summed = jax.ops.segment_sum(msg, dst, num_segments=num_nodes)
    cnt = jax.ops.segment_sum(jnp.ones((msg.shape[0],), jnp.float32), dst, num_segments=num_nodes)
    agg = summed / jnp.clip(cnt, 1.0, None)[:, None]
    return agg @ Wl.T + bl + x @ Wr.T


def _batch_norm(x, gamma, beta, eps=1e-5):
    mu = jnp.mean(x, axis=0)
    var = jnp.var(x, axis=0)
    return (x - mu) / jnp.sqrt(var + eps) * gamma + beta


def setup_inputs(seed: int = 0):
    key = jax.random.key(seed)
    ks = jax.random.split(key, 12)
    s = 1.0 / np.sqrt(D)
    inp = {}
    inp['x'] = jax.random.normal(ks[0], (N, D), dtype=jnp.float32)
    inp['edge_index'] = jax.random.randint(ks[1], (2, E), 0, N, dtype=jnp.int32)
    # layer 0 SAGEConv params
    inp['Wl0'] = jax.random.normal(ks[2], (H, D), dtype=jnp.float32) * s
    inp['bl0'] = jnp.zeros((H,), dtype=jnp.float32)
    inp['Wr0'] = jax.random.normal(ks[3], (H, D), dtype=jnp.float32) * s
    # batch norm 0
    inp['g0'] = jnp.ones((H,), dtype=jnp.float32)
    inp['b0'] = jnp.zeros((H,), dtype=jnp.float32)
    # layer 1 SAGEConv params
    inp['Wl1'] = jax.random.normal(ks[4], (H, H), dtype=jnp.float32) * s
    inp['bl1'] = jnp.zeros((H,), dtype=jnp.float32)
    inp['Wr1'] = jax.random.normal(ks[5], (H, H), dtype=jnp.float32) * s
    return inp


def reference(x, edge_index, Wl0, bl0, Wr0, g0, b0, Wl1, bl1, Wr1):
    src = edge_index[0]
    dst = edge_index[1]
    # layer 0: conv -> relu -> dropout(p=0, identity) -> batchnorm
    h = _sage_conv(x, src, dst, Wl0, bl0, Wr0, N)
    h = jax.nn.relu(h)
    h = _batch_norm(h, g0, b0)
    # layer 1 (last): conv -> relu -> dropout(p=0, identity), no batchnorm
    h = _sage_conv(h, src, dst, Wl1, bl1, Wr1, N)
    h = jax.nn.relu(h)
    # JK == 'last'
    return h

if __name__ == "__main__":
    import jax
    _d = setup_inputs()
    print(jax.jit(kernel)(*tuple(_d.values())))

</pallas_src>

<mosaic_0001>
#map = affine_map<(d0, d1) -> (0)>
#map1 = affine_map<(d0, d1) -> (0, 0)>
module attributes {stable_mosaic.version = 14 : i64} {
  func.func @count(%arg0: i32, %arg1: i32, %arg2: memref<320000xi32, #tpu.memory_space<hbm>>, %arg3: memref<10000x128xf32, #tpu.memory_space<hbm>>, %arg4: memref<80x128xf32, #tpu.memory_space<hbm>>, %arg5: memref<20000x128xf32, #tpu.memory_space<hbm>>, %arg6: memref<80xi32, #tpu.memory_space<vmem>>, %arg7: memref<80xi32, #tpu.memory_space<vmem>>, %arg8: memref<80x128xf32, #tpu.memory_space<vmem>>, %arg9: memref<10000x128xf32, #tpu.memory_space<vmem_shared>>, %arg10: memref<!tpu.dma_semaphore, #tpu.memory_space<semaphore_mem>>, %arg11: memref<!tpu.dma_semaphore, #tpu.memory_space<semaphore_mem>>) attributes {dimension_semantics = [#tpu.dimension_semantics<core_parallel>, #tpu.dimension_semantics<subcore_parallel>], iteration_bounds = array<i64: 2, 16>, scalar_prefetch = 0 : i64, scratch_operands = 6 : i64, tpu.core_type = #tpu.core_type<sc_vector_subcore>, window_params = [{transform_indices = #map}, {transform_indices = #map1}, {transform_indices = #map1}, {transform_indices = #map1}]} {
    %mul3A = arith.constant 2 : i32
    %mul3A_0 = arith.muli %arg1, %mul3A : i32
    %add3A = arith.addi %mul3A_0, %arg0 : i32
    %mul3A_1 = arith.constant 624 : i32
    %mul3A_2 = arith.muli %arg1, %mul3A_1 : i32
    %mul3A_3 = arith.constant 10000 : i32
    %mul3A_4 = arith.muli %add3A, %mul3A_3 : i32
    "tpu.region"() ({
      %run_scoped3A = tpu.sem_alloc : memref<!tpu.dma_semaphore, #tpu.memory_space<semaphore_mem>>
      %dma_start3A_23 = arith.constant 0 : i32
      %dma_start3A_24 = tpu.memref_slice %arg9[%mul3A_2, %dma_start3A_23] : memref<10000x128xf32, #tpu.memory_space<vmem_shared>> -> memref<624x128xf32, #tpu.memory_space<vmem_shared>>
      %dma_start3A_25 = arith.constant 0 : i32
      %dma_start3A_26 = tpu.memref_slice %arg3[%mul3A_2, %dma_start3A_25] : memref<10000x128xf32, #tpu.memory_space<hbm>> -> memref<624x128xf32, #tpu.memory_space<hbm>>
      tpu.enqueue_dma source(%dma_start3A_26 : memref<624x128xf32, #tpu.memory_space<hbm>>) target(%dma_start3A_24 : memref<624x128xf32, #tpu.memory_space<vmem_shared>>) target_semaphore(%run_scoped3A : memref<!tpu.dma_semaphore, #tpu.memory_space<semaphore_mem>>)
      %dma_wait3A = arith.constant 0 : i32
      %dma_wait3A_27 = tpu.memref_slice %arg9[%mul3A_2, %dma_wait3A] : memref<10000x128xf32, #tpu.memory_space<vmem_shared>> -> memref<624x128xf32, #tpu.memory_space<vmem_shared>>
      %dma_wait3A_28 = arith.constant 0 : i32
      %dma_wait3A_29 = tpu.memref_slice %arg3[%mul3A_2, %dma_wait3A_28] : memref<10000x128xf32, #tpu.memory_space<hbm>> -> memref<624x128xf32, #tpu.memory_space<hbm>>
      tpu.wait_dma2 semaphore(%run_scoped3A : memref<!tpu.dma_semaphore, #tpu.memory_space<semaphore_mem>>) src(%dma_wait3A_29 : memref<624x128xf32, #tpu.memory_space<hbm>>) dst(%dma_wait3A_27 : memref<624x128xf32, #tpu.memory_space<vmem_shared>>)
      tpu.yield
    }) : () -> ()
    "tpu.region"() ({
      %run_scoped3A = tpu.sem_alloc : memref<!tpu.dma_semaphore, #tpu.memory_space<semaphore_mem>>
      tpu.enqueue_dma source(%arg4 : memref<80x128xf32, #tpu.memory_space<hbm>>) target(%arg8 : memref<80x128xf32, #tpu.memory_space<vmem>>) target_semaphore(%run_scoped3A : memref<!tpu.dma_semaphore, #tpu.memory_space<semaphore_mem>>)
      tpu.wait_dma2 semaphore(%run_scoped3A : memref<!tpu.dma_semaphore, #tpu.memory_space<semaphore_mem>>) src(%arg4 : memref<80x128xf32, #tpu.memory_space<hbm>>) dst(%arg8 : memref<80x128xf32, #tpu.memory_space<vmem>>)
      tpu.yield
    }) : () -> ()
    %eq3A = arith.constant 0 : i32
    %eq3A_5 = arith.cmpi eq, %arg1, %eq3A : i32
    %convert_element_type3A = arith.extui %eq3A_5 : i1 to i32
    %cond3A = arith.constant 0 : i32
    %cond3A_6 = arith.cmpi ne, %convert_element_type3A, %cond3A : i32
    scf.if %cond3A_6 {
      "tpu.region"() ({
        %run_scoped3A = tpu.sem_alloc : memref<!tpu.dma_semaphore, #tpu.memory_space<semaphore_mem>>
        %dma_start3A_23 = arith.constant 9984 : i32
        %dma_start3A_24 = arith.constant 0 : i32
        %dma_start3A_25 = tpu.memref_slice %arg9[%dma_start3A_23, %dma_start3A_24] : memref<10000x128xf32, #tpu.memory_space<vmem_shared>> -> memref<16x128xf32, #tpu.memory_space<vmem_shared>>
        %dma_start3A_26 = arith.constant 9984 : i32
        %dma_start3A_27 = arith.constant 0 : i32
        %dma_start3A_28 = tpu.memref_slice %arg3[%dma_start3A_26, %dma_start3A_27] : memref<10000x128xf32, #tpu.memory_space<hbm>> -> memref<16x128xf32, #tpu.memory_space<hbm>>
        tpu.enqueue_dma source(%dma_start3A_28 : memref<16x128xf32, #tpu.memory_space<hbm>>) target(%dma_start3A_25 : memref<16x128xf32, #tpu.memory_space<vmem_shared>>) target_semaphore(%run_scoped3A : memref<!tpu.dma_semaphore, #tpu.memory_space<semaphore_mem>>)
        %dma_wait3A = arith.constant 9984 : i32
        %dma_wait3A_29 = arith.constant 0 : i32
        %dma_wait3A_30 = tpu.memref_slice %arg9[%dma_wait3A, %dma_wait3A_29] : memref<10000x128xf32, #tpu.memory_space<vmem_shared>> -> memref<16x128xf32, #tpu.memory_space<vmem_shared>>
        %dma_wait3A_31 = arith.constant 9984 : i32
        %dma_wait3A_32 = arith.constant 0 : i32
        %dma_wait3A_33 = tpu.memref_slice %arg3[%dma_wait3A_31, %dma_wait3A_32] : memref<10000x128xf32, #tpu.memory_space<hbm>> -> memref<16x128xf32, #tpu.memory_space<hbm>>
        tpu.wait_dma2 semaphore(%run_scoped3A : memref<!tpu.dma_semaphore, #tpu.memory_space<semaphore_mem>>) src(%dma_wait3A_33 : memref<16x128xf32, #tpu.memory_space<hbm>>) dst(%dma_wait3A_30 : memref<16x128xf32, #tpu.memory_space<vmem_shared>>)
        tpu.yield
      }) : () -> ()
    } else {
    }
    %add3A_7 = arith.constant 0 : i32
    %add3A_8 = arith.addi %mul3A_4, %add3A_7 : i32
    %dma_start3A = tpu.memref_slice %arg2[%add3A_8] : memref<320000xi32, #tpu.memory_space<hbm>> -> memref<80xi32, #tpu.memory_space<hbm>>
    %dma_start3A_9 = tpu.memref_slice %arg2[%add3A_8] : memref<320000xi32, #tpu.memory_space<hbm>> -> memref<80xi32, #tpu.memory_space<hbm>>
    tpu.enqueue_dma source(%dma_start3A_9 : memref<80xi32, #tpu.memory_space<hbm>>) target(%arg6 : memref<80xi32, #tpu.memory_space<vmem>>) target_semaphore(%arg10 : memref<!tpu.dma_semaphore, #tpu.memory_space<semaphore_mem>>)
    %barrier3A = arith.constant 0 : index
    tpu.barrier barrier_id(%barrier3A)
    %scan3A = arith.constant 0 : i32
    %scan3A_10 = arith.constant 63 : i32
    %scan3A_11 = arith.addi %scan3A, %scan3A_10 : i32
    %scan3A_12 = arith.constant 1 : i32
    scf.for %scan3A_23 = %scan3A to %scan3A_11 step %scan3A_12  : i32 {
      %mul3A_24 = arith.constant 2 : i32
      %mul3A_25 = arith.muli %scan3A_23, %mul3A_24 : i32
      %add3A_26 = arith.constant 0 : i32
      %add3A_27 = arith.addi %add3A_26, %mul3A_25 : i32
      %mul3A_28 = arith.constant 80 : i32
      %mul3A_29 = arith.muli %add3A_27, %mul3A_28 : i32
      %add3A_30 = arith.addi %mul3A_4, %mul3A_29 : i32
      %dma_wait3A = tpu.memref_slice %arg2[%add3A_30] : memref<320000xi32, #tpu.memory_space<hbm>> -> memref<80xi32, #tpu.memory_space<hbm>>
      %dma_wait3A_31 = tpu.memref_slice %arg2[%add3A_30] : memref<320000xi32, #tpu.memory_space<hbm>> -> memref<80xi32, #tpu.memory_space<hbm>>
      tpu.wait_dma2 semaphore(%arg10 : memref<!tpu.dma_semaphore, #tpu.memory_space<semaphore_mem>>) src(%dma_wait3A_31 : memref<80xi32, #tpu.memory_space<hbm>>) dst(%arg6 : memref<80xi32, #tpu.memory_space<vmem>>)
      %add3A_32 = arith.constant 1 : i32
      %add3A_33 = arith.addi %add3A_27, %add3A_32 : i32
      %lt3A = arith.constant 125 : i32
      %lt3A_34 = arith.cmpi slt, %add3A_33, %lt3A : i32
      %convert_element_type3A_35 = arith.extui %lt3A_34 : i1 to i32
      %cond3A_36 = arith.constant 0 : i32
      %cond3A_37 = arith.cmpi ne, %convert_element_type3A_35, %cond3A_36 : i32
      scf.if %cond3A_37 {
        %add3A_52 = arith.constant 1 : i32
        %add3A_53 = arith.addi %add3A_27, %add3A_52 : i32
        %mul3A_54 = arith.constant 80 : i32
        %mul3A_55 = arith.muli %add3A_53, %mul3A_54 : i32
        %add3A_56 = arith.addi %mul3A_4, %mul3A_55 : i32
        %dma_start3A_57 = tpu.memref_slice %arg2[%add3A_56] : memref<320000xi32, #tpu.memory_space<hbm>> -> memref<80xi32, #tpu.memory_space<hbm>>
        %dma_start3A_58 = tpu.memref_slice %arg2[%add3A_56] : memref<320000xi32, #tpu.memory_space<hbm>> -> memref<80xi32, #tpu.memory_space<hbm>>
        tpu.enqueue_dma source(%dma_start3A_58 : memref<80xi32, #tpu.memory_space<hbm>>) target(%arg7 : memref<80xi32, #tpu.memory_space<vmem>>) target_semaphore(%arg11 : memref<!tpu.dma_semaphore, #tpu.memory_space<semaphore_mem>>)
      } else {
      }
      "tpu.region"() ({
        %run_scoped3A = tpu.sem_alloc : memref<!tpu.dma_semaphore, #tpu.memory_space<semaphore_mem>>
        %dma_start3A_52 = arith.constant 0 : i32
        %dma_start3A_53 = arith.constant 0 : i32
        %dma_start3A_54 = tpu.memref_slice %arg9[%dma_start3A_52, %dma_start3A_53] : memref<10000x128xf32, #tpu.memory_space<vmem_shared>> -> memref<10000x128xf32, #tpu.memory_space<vmem_shared>>
        tpu.enqueue_indirect_dma source(%arg8 : memref<80x128xf32, #tpu.memory_space<vmem>>) target(%dma_start3A_54 : memref<10000x128xf32, #tpu.memory_space<vmem_shared>>) offsets(%arg6 : memref<80xi32, #tpu.memory_space<vmem>>) semaphore(%run_scoped3A : memref<!tpu.dma_semaphore, #tpu.memory_space<semaphore_mem>>) {add = true}
        %dma_wait3A_55 = arith.constant 0 : i32
        %dma_wait3A_56 = arith.constant 0 : i32
        %dma_wait3A_57 = tpu.memref_slice %arg9[%dma_wait3A_55, %dma_wait3A_56] : memref<10000x128xf32, #tpu.memory_space<vmem_shared>> -> memref<10000x128xf32, #tpu.memory_space<vmem_shared>>
        tpu.wait_indirect_dma semaphore(%run_scoped3A : memref<!tpu.dma_semaphore, #tpu.memory_space<semaphore_mem>>) src(%arg8 : memref<80x128xf32, #tpu.memory_space<vmem>>) dst(%dma_wait3A_57 : memref<10000x128xf32, #tpu.memory_space<vmem_shared>>)
        tpu.yield
      }) : () -> ()
      %add3A_38 = arith.constant 2 : i32
      %add3A_39 = arith.addi %add3A_27, %add3A_38 : i32
      %lt3A_40 = arith.constant 125 : i32
      %lt3A_41 = arith.cmpi slt, %add3A_39, %lt3A_40 : i32
      %convert_element_type3A_42 = arith.extui %lt3A_41 : i1 to i32
      %cond3A_43 = arith.constant 0 : i32
      %cond3A_44 = arith.cmpi ne, %convert_element_type3A_42, %cond3A_43 : i32
      scf.if %cond3A_44 {
        %add3A_52 = arith.constant 2 : i32
        %add3A_53 = arith.addi %add3A_27, %add3A_52 : i32
        %mul3A_54 = arith.constant 80 : i32
        %mul3A_55 = arith.muli %add3A_53, %mul3A_54 : i32
        %add3A_56 = arith.addi %mul3A_4, %mul3A_55 : i32
        %dma_start3A_57 = tpu.memref_slice %arg2[%add3A_56] : memref<320000xi32, #tpu.memory_space<hbm>> -> memref<80xi32, #tpu.memory_space<hbm>>
        %dma_start3A_58 = tpu.memref_slice %arg2[%add3A_56] : memref<320000xi32, #tpu.memory_space<hbm>> -> memref<80xi32, #tpu.memory_space<hbm>>
        tpu.enqueue_dma source(%dma_start3A_58 : memref<80xi32, #tpu.memory_space<hbm>>) target(%arg6 : memref<80xi32, #tpu.memory_space<vmem>>) target_semaphore(%arg10 : memref<!tpu.dma_semaphore, #tpu.memory_space<semaphore_mem>>)
      } else {
      }
      %add3A_45 = arith.constant 1 : i32
      %add3A_46 = arith.addi %add3A_27, %add3A_45 : i32
      %lt3A_47 = arith.constant 125 : i32
      %lt3A_48 = arith.cmpi slt, %add3A_46, %lt3A_47 : i32
      %convert_element_type3A_49 = arith.extui %lt3A_48 : i1 to i32
      %cond3A_50 = arith.constant 0 : i32
      %cond3A_51 = arith.cmpi ne, %convert_element_type3A_49, %cond3A_50 : i32
      scf.if %cond3A_51 {
        %add3A_52 = arith.constant 1 : i32
        %add3A_53 = arith.addi %add3A_27, %add3A_52 : i32
        %mul3A_54 = arith.constant 80 : i32
        %mul3A_55 = arith.muli %add3A_53, %mul3A_54 : i32
        %add3A_56 = arith.addi %mul3A_4, %mul3A_55 : i32
        %dma_wait3A_57 = tpu.memref_slice %arg2[%add3A_56] : memref<320000xi32, #tpu.memory_space<hbm>> -> memref<80xi32, #tpu.memory_space<hbm>>
        %dma_wait3A_58 = tpu.memref_slice %arg2[%add3A_56] : memref<320000xi32, #tpu.memory_space<hbm>> -> memref<80xi32, #tpu.memory_space<hbm>>
        tpu.wait_dma2 semaphore(%arg11 : memref<!tpu.dma_semaphore, #tpu.memory_space<semaphore_mem>>) src(%dma_wait3A_58 : memref<80xi32, #tpu.memory_space<hbm>>) dst(%arg7 : memref<80xi32, #tpu.memory_space<vmem>>)
        "tpu.region"() ({
          %run_scoped3A = tpu.sem_alloc : memref<!tpu.dma_semaphore, #tpu.memory_space<semaphore_mem>>
          %dma_start3A_59 = arith.constant 0 : i32
          %dma_start3A_60 = arith.constant 0 : i32
          %dma_start3A_61 = tpu.memref_slice %arg9[%dma_start3A_59, %dma_start3A_60] : memref<10000x128xf32, #tpu.memory_space<vmem_shared>> -> memref<10000x128xf32, #tpu.memory_space<vmem_shared>>
          tpu.enqueue_indirect_dma source(%arg8 : memref<80x128xf32, #tpu.memory_space<vmem>>) target(%dma_start3A_61 : memref<10000x128xf32, #tpu.memory_space<vmem_shared>>) offsets(%arg7 : memref<80xi32, #tpu.memory_space<vmem>>) semaphore(%run_scoped3A : memref<!tpu.dma_semaphore, #tpu.memory_space<semaphore_mem>>) {add = true}
          %dma_wait3A_62 = arith.constant 0 : i32
          %dma_wait3A_63 = arith.constant 0 : i32
          %dma_wait3A_64 = tpu.memref_slice %arg9[%dma_wait3A_62, %dma_wait3A_63] : memref<10000x128xf32, #tpu.memory_space<vmem_shared>> -> memref<10000x128xf32, #tpu.memory_space<vmem_shared>>
          tpu.wait_indirect_dma semaphore(%run_scoped3A : memref<!tpu.dma_semaphore, #tpu.memory_space<semaphore_mem>>) src(%arg8 : memref<80x128xf32, #tpu.memory_space<vmem>>) dst(%dma_wait3A_64 : memref<10000x128xf32, #tpu.memory_space<vmem_shared>>)
          tpu.yield
        }) : () -> ()
      } else {
      }
    }
    %scan3A_13 = arith.constant 63 : i32
    %barrier3A_14 = arith.constant 0 : index
    tpu.barrier barrier_id(%barrier3A_14)
    %mul3A_15 = arith.constant 10000 : i32
    %mul3A_16 = arith.muli %arg0, %mul3A_15 : i32
    %add3A_17 = arith.addi %mul3A_16, %mul3A_2 : i32
    "tpu.region"() ({
      %run_scoped3A = tpu.sem_alloc : memref<!tpu.dma_semaphore, #tpu.memory_space<semaphore_mem>>
      %dma_start3A_23 = arith.constant 0 : i32
      %dma_start3A_24 = tpu.memref_slice %arg5[%add3A_17, %dma_start3A_23] : memref<20000x128xf32, #tpu.memory_space<hbm>> -> memref<624x128xf32, #tpu.memory_space<hbm>>
      %dma_start3A_25 = arith.constant 0 : i32
      %dma_start3A_26 = tpu.memref_slice %arg9[%mul3A_2, %dma_start3A_25] : memref<10000x128xf32, #tpu.memory_space<vmem_shared>> -> memref<624x128xf32, #tpu.memory_space<vmem_shared>>
      tpu.enqueue_dma source(%dma_start3A_26 : memref<624x128xf32, #tpu.memory_space<vmem_shared>>) target(%dma_start3A_24 : memref<624x128xf32, #tpu.memory_space<hbm>>) target_semaphore(%run_scoped3A : memref<!tpu.dma_semaphore, #tpu.memory_space<semaphore_mem>>)
      %dma_wait3A = arith.constant 0 : i32
      %dma_wait3A_27 = tpu.memref_slice %arg5[%add3A_17, %dma_wait3A] : memref<20000x128xf32, #tpu.memory_space<hbm>> -> memref<624x128xf32, #tpu.memory_space<hbm>>
      %dma_wait3A_28 = arith.constant 0 : i32
      %dma_wait3A_29 = tpu.memref_slice %arg9[%mul3A_2, %dma_wait3A_28] : memref<10000x128xf32, #tpu.memory_space<vmem_shared>> -> memref<624x128xf32, #tpu.memory_space<vmem_shared>>
      tpu.wait_dma2 semaphore(%run_scoped3A : memref<!tpu.dma_semaphore, #tpu.memory_space<semaphore_mem>>) src(%dma_wait3A_29 : memref<624x128xf32, #tpu.memory_space<vmem_shared>>) dst(%dma_wait3A_27 : memref<624x128xf32, #tpu.memory_space<hbm>>)
      tpu.yield
    }) : () -> ()
    %eq3A_18 = arith.constant 0 : i32
    %eq3A_19 = arith.cmpi eq, %arg1, %eq3A_18 : i32
    %convert_element_type3A_20 = arith.extui %eq3A_19 : i1 to i32
    %cond3A_21 = arith.constant 0 : i32
    %cond3A_22 = arith.cmpi ne, %convert_element_type3A_20, %cond3A_21 : i32
    scf.if %cond3A_22 {
      %mul3A_23 = arith.constant 10000 : i32
      %mul3A_24 = arith.muli %arg0, %mul3A_23 : i32
      %add3A_25 = arith.constant 9984 : i32
      %add3A_26 = arith.addi %mul3A_24, %add3A_25 : i32
      "tpu.region"() ({
        %run_scoped3A = tpu.sem_alloc : memref<!tpu.dma_semaphore, #tpu.memory_space<semaphore_mem>>
        %dma_start3A_27 = arith.constant 0 : i32
        %dma_start3A_28 = tpu.memref_slice %arg5[%add3A_26, %dma_start3A_27] : memref<20000x128xf32, #tpu.memory_space<hbm>> -> memref<16x128xf32, #tpu.memory_space<hbm>>
        %dma_start3A_29 = arith.constant 9984 : i32
        %dma_start3A_30 = arith.constant 0 : i32
        %dma_start3A_31 = tpu.memref_slice %arg9[%dma_start3A_29, %dma_start3A_30] : memref<10000x128xf32, #tpu.memory_space<vmem_shared>> -> memref<16x128xf32, #tpu.memory_space<vmem_shared>>
        tpu.enqueue_dma source(%dma_start3A_31 : memref<16x128xf32, #tpu.memory_space<vmem_shared>>) target(%dma_start3A_28 : memref<16x128xf32, #tpu.memory_space<hbm>>) target_semaphore(%run_scoped3A : memref<!tpu.dma_semaphore, #tpu.memory_space<semaphore_mem>>)
        %dma_wait3A = arith.constant 0 : i32
        %dma_wait3A_32 = tpu.memref_slice %arg5[%add3A_26, %dma_wait3A] : memref<20000x128xf32, #tpu.memory_space<hbm>> -> memref<16x128xf32, #tpu.memory_space<hbm>>
        %dma_wait3A_33 = arith.constant 9984 : i32
        %dma_wait3A_34 = arith.constant 0 : i32
        %dma_wait3A_35 = tpu.memref_slice %arg9[%dma_wait3A_33, %dma_wait3A_34] : memref<10000x128xf32, #tpu.memory_space<vmem_shared>> -> memref<16x128xf32, #tpu.memory_space<vmem_shared>>
        tpu.wait_dma2 semaphore(%run_scoped3A : memref<!tpu.dma_semaphore, #tpu.memory_space<semaphore_mem>>) src(%dma_wait3A_35 : memref<16x128xf32, #tpu.memory_space<vmem_shared>>) dst(%dma_wait3A_32 : memref<16x128xf32, #tpu.memory_space<hbm>>)
        tpu.yield
      }) : () -> ()
    } else {
    }
    return
  }
}

#map = affine_map<(d0, d1) -> (0, 0)>
#map1 = affine_map<(d0, d1) -> (0)>
module attributes {stable_mosaic.version = 14 : i64} {
  func.func @seg_sum(%arg0: i32, %arg1: i32, %arg2: memref<10000x128xf32, #tpu.memory_space<hbm>>, %arg3: memref<320000xi32, #tpu.memory_space<hbm>>, %arg4: memref<320000xi32, #tpu.memory_space<hbm>>, %arg5: memref<10000x128xf32, #tpu.memory_space<hbm>>, %arg6: memref<20000x128xf32, #tpu.memory_space<hbm>>, %arg7: memref<80xi32, #tpu.memory_space<vmem>>, %arg8: memref<80xi32, #tpu.memory_space<vmem>>, %arg9: memref<80xi32, #tpu.memory_space<vmem>>, %arg10: memref<80xi32, #tpu.memory_space<vmem>>, %arg11: memref<80x128xf32, #tpu.memory_space<vmem>>, %arg12: memref<80x128xf32, #tpu.memory_space<vmem>>, %arg13: memref<10000x128xf32, #tpu.memory_space<vmem_shared>>, %arg14: memref<!tpu.dma_semaphore, #tpu.memory_space<semaphore_mem>>, %arg15: memref<!tpu.dma_semaphore, #tpu.memory_space<semaphore_mem>>, %arg16: memref<!tpu.dma_semaphore, #tpu.memory_space<semaphore_mem>>, %arg17: memref<!tpu.dma_semaphore, #tpu.memory_space<semaphore_mem>>) attributes {dimension_semantics = [#tpu.dimension_semantics<core_parallel>, #tpu.dimension_semantics<subcore_parallel>], iteration_bounds = array<i64: 2, 16>, scalar_prefetch = 0 : i64, scratch_operands = 11 : i64, tpu.core_type = #tpu.core_type<sc_vector_subcore>, window_params = [{transform_indices = #map}, {transform_indices = #map1}, {transform_indices = #map1}, {transform_indices = #map}, {transform_indices = #map}]} {
    %mul3A = arith.constant 2 : i32
    %mul3A_0 = arith.muli %arg1, %mul3A : i32
    %add3A = arith.addi %mul3A_0, %arg0 : i32
    %mul3A_1 = arith.constant 624 : i32
    %mul3A_2 = arith.muli %arg1, %mul3A_1 : i32
    %mul3A_3 = arith.constant 10000 : i32
    %mul3A_4 = arith.muli %add3A, %mul3A_3 : i32
    "tpu.region"() ({
      %run_scoped3A = tpu.sem_alloc : memref<!tpu.dma_semaphore, #tpu.memory_space<semaphore_mem>>
      %dma_start3A_45 = arith.constant 0 : i32
      %dma_start3A_46 = tpu.memref_slice %arg13[%mul3A_2, %dma_start3A_45] : memref<10000x128xf32, #tpu.memory_space<vmem_shared>> -> memref<624x128xf32, #tpu.memory_space<vmem_shared>>
      %dma_start3A_47 = arith.constant 0 : i32
      %dma_start3A_48 = tpu.memref_slice %arg5[%mul3A_2, %dma_start3A_47] : memref<10000x128xf32, #tpu.memory_space<hbm>> -> memref<624x128xf32, #tpu.memory_space<hbm>>
      tpu.enqueue_dma source(%dma_start3A_48 : memref<624x128xf32, #tpu.memory_space<hbm>>) target(%dma_start3A_46 : memref<624x128xf32, #tpu.memory_space<vmem_shared>>) target_semaphore(%run_scoped3A : memref<!tpu.dma_semaphore, #tpu.memory_space<semaphore_mem>>)
      %dma_wait3A_49 = arith.constant 0 : i32
      %dma_wait3A_50 = tpu.memref_slice %arg13[%mul3A_2, %dma_wait3A_49] : memref<10000x128xf32, #tpu.memory_space<vmem_shared>> -> memref<624x128xf32, #tpu.memory_space<vmem_shared>>
      %dma_wait3A_51 = arith.constant 0 : i32
      %dma_wait3A_52 = tpu.memref_slice %arg5[%mul3A_2, %dma_wait3A_51] : memref<10000x128xf32, #tpu.memory_space<hbm>> -> memref<624x128xf32, #tpu.memory_space<hbm>>
      tpu.wait_dma2 semaphore(%run_scoped3A : memref<!tpu.dma_semaphore, #tpu.memory_space<semaphore_mem>>) src(%dma_wait3A_52 : memref<624x128xf32, #tpu.memory_space<hbm>>) dst(%dma_wait3A_50 : memref<624x128xf32, #tpu.memory_space<vmem_shared>>)
      tpu.yield
    }) : () -> ()
    %eq3A = arith.constant 0 : i32
    %eq3A_5 = arith.cmpi eq, %arg1, %eq3A : i32
    %convert_element_type3A = arith.extui %eq3A_5 : i1 to i32
    %cond3A = arith.constant 0 : i32
    %cond3A_6 = arith.cmpi ne, %convert_element_type3A, %cond3A : i32
    scf.if %cond3A_6 {
      "tpu.region"() ({
        %run_scoped3A = tpu.sem_alloc : memref<!tpu.dma_semaphore, #tpu.memory_space<semaphore_mem>>
        %dma_start3A_45 = arith.constant 9984 : i32
        %dma_start3A_46 = arith.constant 0 : i32
        %dma_start3A_47 = tpu.memref_slice %arg13[%dma_start3A_45, %dma_start3A_46] : memref<10000x128xf32, #tpu.memory_space<vmem_shared>> -> memref<16x128xf32, #tpu.memory_space<vmem_shared>>
        %dma_start3A_48 = arith.constant 9984 : i32
        %dma_start3A_49 = arith.constant 0 : i32
        %dma_start3A_50 = tpu.memref_slice %arg5[%dma_start3A_48, %dma_start3A_49] : memref<10000x128xf32, #tpu.memory_space<hbm>> -> memref<16x128xf32, #tpu.memory_space<hbm>>
        tpu.enqueue_dma source(%dma_start3A_50 : memref<16x128xf32, #tpu.memory_space<hbm>>) target(%dma_start3A_47 : memref<16x128xf32, #tpu.memory_space<vmem_shared>>) target_semaphore(%run_scoped3A : memref<!tpu.dma_semaphore, #tpu.memory_space<semaphore_mem>>)
        %dma_wait3A_51 = arith.constant 9984 : i32
        %dma_wait3A_52 = arith.constant 0 : i32
        %dma_wait3A_53 = tpu.memref_slice %arg13[%dma_wait3A_51, %dma_wait3A_52] : memref<10000x128xf32, #tpu.memory_space<vmem_shared>> -> memref<16x128xf32, #tpu.memory_space<vmem_shared>>
        %dma_wait3A_54 = arith.constant 9984 : i32
        %dma_wait3A_55 = arith.constant 0 : i32
        %dma_wait3A_56 = tpu.memref_slice %arg5[%dma_wait3A_54, %dma_wait3A_55] : memref<10000x128xf32, #tpu.memory_space<hbm>> -> memref<16x128xf32, #tpu.memory_space<hbm>>
        tpu.wait_dma2 semaphore(%run_scoped3A : memref<!tpu.dma_semaphore, #tpu.memory_space<semaphore_mem>>) src(%dma_wait3A_56 : memref<16x128xf32, #tpu.memory_space<hbm>>) dst(%dma_wait3A_53 : memref<16x128xf32, #tpu.memory_space<vmem_shared>>)
        tpu.yield
      }) : () -> ()
    } else {
    }
    %add3A_7 = arith.constant 0 : i32
    %add3A_8 = arith.addi %mul3A_4, %add3A_7 : i32
    %dma_start3A = tpu.memref_slice %arg3[%add3A_8] : memref<320000xi32, #tpu.memory_space<hbm>> -> memref<80xi32, #tpu.memory_space<hbm>>
    %dma_start3A_9 = tpu.memref_slice %arg3[%add3A_8] : memref<320000xi32, #tpu.memory_space<hbm>> -> memref<80xi32, #tpu.memory_space<hbm>>
    tpu.enqueue_dma source(%dma_start3A_9 : memref<80xi32, #tpu.memory_space<hbm>>) target(%arg7 : memref<80xi32, #tpu.memory_space<vmem>>) target_semaphore(%arg14 : memref<!tpu.dma_semaphore, #tpu.memory_space<semaphore_mem>>)
    %add3A_10 = arith.constant 0 : i32
    %add3A_11 = arith.addi %mul3A_4, %add3A_10 : i32
    %dma_start3A_12 = tpu.memref_slice %arg4[%add3A_11] : memref<320000xi32, #tpu.memory_space<hbm>> -> memref<80xi32, #tpu.memory_space<hbm>>
    %dma_start3A_13 = tpu.memref_slice %arg4[%add3A_11] : memref<320000xi32, #tpu.memory_space<hbm>> -> memref<80xi32, #tpu.memory_space<hbm>>
    tpu.enqueue_dma source(%dma_start3A_13 : memref<80xi32, #tpu.memory_space<hbm>>) target(%arg9 : memref<80xi32, #tpu.memory_space<vmem>>) target_semaphore(%arg14 : memref<!tpu.dma_semaphore, #tpu.memory_space<semaphore_mem>>)
    %add3A_14 = arith.constant 80 : i32
    %add3A_15 = arith.addi %mul3A_4, %add3A_14 : i32
    %dma_start3A_16 = tpu.memref_slice %arg3[%add3A_15] : memref<320000xi32, #tpu.memory_space<hbm>> -> memref<80xi32, #tpu.memory_space<hbm>>
    %dma_start3A_17 = tpu.memref_slice %arg3[%add3A_15] : memref<320000xi32, #tpu.memory_space<hbm>> -> memref<80xi32, #tpu.memory_space<hbm>>
    tpu.enqueue_dma source(%dma_start3A_17 : memref<80xi32, #tpu.memory_space<hbm>>) target(%arg8 : memref<80xi32, #tpu.memory_space<vmem>>) target_semaphore(%arg15 : memref<!tpu.dma_semaphore, #tpu.memory_space<semaphore_mem>>)
    %add3A_18 = arith.constant 80 : i32
    %add3A_19 = arith.addi %mul3A_4, %add3A_18 : i32
    %dma_start3A_20 = tpu.memref_slice %arg4[%add3A_19] : memref<320000xi32, #tpu.memory_space<hbm>> -> memref<80xi32, #tpu.memory_space<hbm>>
    %dma_start3A_21 = tpu.memref_slice %arg4[%add3A_19] : memref<320000xi32, #tpu.memory_space<hbm>> -> memref<80xi32, #tpu.memory_space<hbm>>
    tpu.enqueue_dma source(%dma_start3A_21 : memref<80xi32, #tpu.memory_space<hbm>>) target(%arg10 : memref<80xi32, #tpu.memory_space<vmem>>) target_semaphore(%arg15 : memref<!tpu.dma_semaphore, #tpu.memory_space<semaphore_mem>>)
    %barrier3A = arith.constant 0 : index
    tpu.barrier barrier_id(%barrier3A)
    %add3A_22 = arith.constant 0 : i32
    %add3A_23 = arith.addi %mul3A_4, %add3A_22 : i32
    %dma_wait3A = tpu.memref_slice %arg3[%add3A_23] : memref<320000xi32, #tpu.memory_space<hbm>> -> memref<80xi32, #tpu.memory_space<hbm>>
    %dma_wait3A_24 = tpu.memref_slice %arg3[%add3A_23] : memref<320000xi32, #tpu.memory_space<hbm>> -> memref<80xi32, #tpu.memory_space<hbm>>
    tpu.wait_dma2 semaphore(%arg14 : memref<!tpu.dma_semaphore, #tpu.memory_space<semaphore_mem>>) src(%dma_wait3A_24 : memref<80xi32, #tpu.memory_space<hbm>>) dst(%arg7 : memref<80xi32, #tpu.memory_space<vmem>>)
    %add3A_25 = arith.constant 0 : i32
    %add3A_26 = arith.addi %mul3A_4, %add3A_25 : i32
    %dma_wait3A_27 = tpu.memref_slice %arg4[%add3A_26] : memref<320000xi32, #tpu.memory_space<hbm>> -> memref<80xi32, #tpu.memory_space<hbm>>
    %dma_wait3A_28 = tpu.memref_slice %arg4[%add3A_26] : memref<320000xi32, #tpu.memory_space<hbm>> -> memref<80xi32, #tpu.memory_space<hbm>>
    tpu.wait_dma2 semaphore(%arg14 : memref<!tpu.dma_semaphore, #tpu.memory_space<semaphore_mem>>) src(%dma_wait3A_28 : memref<80xi32, #tpu.memory_space<hbm>>) dst(%arg9 : memref<80xi32, #tpu.memory_space<vmem>>)
    %dma_start3A_29 = arith.constant 0 : i32
    %dma_start3A_30 = arith.constant 0 : i32
    %dma_start3A_31 = tpu.memref_slice %arg2[%dma_start3A_29, %dma_start3A_30] : memref<10000x128xf32, #tpu.memory_space<hbm>> -> memref<10000x128xf32, #tpu.memory_space<hbm>>
    tpu.enqueue_indirect_dma source(%dma_start3A_31 : memref<10000x128xf32, #tpu.memory_space<hbm>>) target(%arg11 : memref<80x128xf32, #tpu.memory_space<vmem>>) offsets(%arg7 : memref<80xi32, #tpu.memory_space<vmem>>) semaphore(%arg16 : memref<!tpu.dma_semaphore, #tpu.memory_space<semaphore_mem>>)
    %scan3A = arith.constant 0 : i32
    %scan3A_32 = arith.constant 63 : i32
    %scan3A_33 = arith.addi %scan3A, %scan3A_32 : i32
    %scan3A_34 = arith.constant 1 : i32
    scf.for %scan3A_45 = %scan3A to %scan3A_33 step %scan3A_34  : i32 {
      %mul3A_46 = arith.constant 2 : i32
      %mul3A_47 = arith.muli %scan3A_45, %mul3A_46 : i32
      %add3A_48 = arith.constant 0 : i32
      %add3A_49 = arith.addi %add3A_48, %mul3A_47 : i32
      %add3A_50 = arith.constant 1 : i32
      %add3A_51 = arith.addi %add3A_49, %add3A_50 : i32
      %lt3A = arith.constant 125 : i32
      %lt3A_52 = arith.cmpi slt, %add3A_51, %lt3A : i32
      %convert_element_type3A_53 = arith.extui %lt3A_52 : i1 to i32
      %cond3A_54 = arith.constant 0 : i32
      %cond3A_55 = arith.cmpi ne, %convert_element_type3A_53, %cond3A_54 : i32
      scf.if %cond3A_55 {
        %add3A_94 = arith.constant 1 : i32
        %add3A_95 = arith.addi %add3A_49, %add3A_94 : i32
        %mul3A_96 = arith.constant 80 : i32
        %mul3A_97 = arith.muli %add3A_95, %mul3A_96 : i32
        %add3A_98 = arith.addi %mul3A_4, %mul3A_97 : i32
        %dma_wait3A_99 = tpu.memref_slice %arg3[%add3A_98] : memref<320000xi32, #tpu.memory_space<hbm>> -> memref<80xi32, #tpu.memory_space<hbm>>
        %dma_wait3A_100 = tpu.memref_slice %arg3[%add3A_98] : memref<320000xi32, #tpu.memory_space<hbm>> -> memref<80xi32, #tpu.memory_space<hbm>>
        tpu.wait_dma2 semaphore(%arg15 : memref<!tpu.dma_semaphore, #tpu.memory_space<semaphore_mem>>) src(%dma_wait3A_100 : memref<80xi32, #tpu.memory_space<hbm>>) dst(%arg8 : memref<80xi32, #tpu.memory_space<vmem>>)
        %mul3A_101 = arith.constant 80 : i32
        %mul3A_102 = arith.muli %add3A_95, %mul3A_101 : i32
        %add3A_103 = arith.addi %mul3A_4, %mul3A_102 : i32
        %dma_wait3A_104 = tpu.memref_slice %arg4[%add3A_103] : memref<320000xi32, #tpu.memory_space<hbm>> -> memref<80xi32, #tpu.memory_space<hbm>>
        %dma_wait3A_105 = tpu.memref_slice %arg4[%add3A_103] : memref<320000xi32, #tpu.memory_space<hbm>> -> memref<80xi32, #tpu.memory_space<hbm>>
        tpu.wait_dma2 semaphore(%arg15 : memref<!tpu.dma_semaphore, #tpu.memory_space<semaphore_mem>>) src(%dma_wait3A_105 : memref<80xi32, #tpu.memory_space<hbm>>) dst(%arg10 : memref<80xi32, #tpu.memory_space<vmem>>)
        %dma_start3A_106 = arith.constant 0 : i32
        %dma_start3A_107 = arith.constant 0 : i32
        %dma_start3A_108 = tpu.memref_slice %arg2[%dma_start3A_106, %dma_start3A_107] : memref<10000x128xf32, #tpu.memory_space<hbm>> -> memref<10000x128xf32, #tpu.memory_space<hbm>>
        tpu.enqueue_indirect_dma source(%dma_start3A_108 : memref<10000x128xf32, #tpu.memory_space<hbm>>) target(%arg12 : memref<80x128xf32, #tpu.memory_space<vmem>>) offsets(%arg8 : memref<80xi32, #tpu.memory_space<vmem>>) semaphore(%arg17 : memref<!tpu.dma_semaphore, #tpu.memory_space<semaphore_mem>>)
      } else {
      }
      %dma_wait3A_56 = arith.constant 0 : i32
      %dma_wait3A_57 = arith.constant 0 : i32
      %dma_wait3A_58 = tpu.memref_slice %arg2[%dma_wait3A_56, %dma_wait3A_57] : memref<10000x128xf32, #tpu.memory_space<hbm>> -> memref<10000x128xf32, #tpu.memory_space<hbm>>
      tpu.wait_indirect_dma semaphore(%arg16 : memref<!tpu.dma_semaphore, #tpu.memory_space<semaphore_mem>>) src(%dma_wait3A_58 : memref<10000x128xf32, #tpu.memory_space<hbm>>) dst(%arg11 : memref<80x128xf32, #tpu.memory_space<vmem>>)
      "tpu.region"() ({
        %run_scoped3A = tpu.sem_alloc : memref<!tpu.dma_semaphore, #tpu.memory_space<semaphore_mem>>
        %dma_start3A_94 = arith.constant 0 : i32
        %dma_start3A_95 = arith.constant 0 : i32
        %dma_start3A_96 = tpu.memref_slice %arg13[%dma_start3A_94, %dma_start3A_95] : memref<10000x128xf32, #tpu.memory_space<vmem_shared>> -> memref<10000x128xf32, #tpu.memory_space<vmem_shared>>
        tpu.enqueue_indirect_dma source(%arg11 : memref<80x128xf32, #tpu.memory_space<vmem>>) target(%dma_start3A_96 : memref<10000x128xf32, #tpu.memory_space<vmem_shared>>) offsets(%arg9 : memref<80xi32, #tpu.memory_space<vmem>>) semaphore(%run_scoped3A : memref<!tpu.dma_semaphore, #tpu.memory_space<semaphore_mem>>) {add = true}
        %dma_wait3A_97 = arith.constant 0 : i32
        %dma_wait3A_98 = arith.constant 0 : i32
        %dma_wait3A_99 = tpu.memref_slice %arg13[%dma_wait3A_97, %dma_wait3A_98] : memref<10000x128xf32, #tpu.memory_space<vmem_shared>> -> memref<10000x128xf32, #tpu.memory_space<vmem_shared>>
        tpu.wait_indirect_dma semaphore(%run_scoped3A : memref<!tpu.dma_semaphore, #tpu.memory_space<semaphore_mem>>) src(%arg11 : memref<80x128xf32, #tpu.memory_space<vmem>>) dst(%dma_wait3A_99 : memref<10000x128xf32, #tpu.memory_space<vmem_shared>>)
        tpu.yield
      }) : () -> ()
      %add3A_59 = arith.constant 2 : i32
      %add3A_60 = arith.addi %add3A_49, %add3A_59 : i32
      %lt3A_61 = arith.constant 125 : i32
      %lt3A_62 = arith.cmpi slt, %add3A_60, %lt3A_61 : i32
      %convert_element_type3A_63 = arith.extui %lt3A_62 : i1 to i32
      %cond3A_64 = arith.constant 0 : i32
      %cond3A_65 = arith.cmpi ne, %convert_element_type3A_63, %cond3A_64 : i32
      scf.if %cond3A_65 {
        %add3A_94 = arith.constant 2 : i32
        %add3A_95 = arith.addi %add3A_49, %add3A_94 : i32
        %mul3A_96 = arith.constant 80 : i32
        %mul3A_97 = arith.muli %add3A_95, %mul3A_96 : i32
        %add3A_98 = arith.addi %mul3A_4, %mul3A_97 : i32
        %dma_start3A_99 = tpu.memref_slice %arg3[%add3A_98] : memref<320000xi32, #tpu.memory_space<hbm>> -> memref<80xi32, #tpu.memory_space<hbm>>
        %dma_start3A_100 = tpu.memref_slice %arg3[%add3A_98] : memref<320000xi32, #tpu.memory_space<hbm>> -> memref<80xi32, #tpu.memory_space<hbm>>
        tpu.enqueue_dma source(%dma_start3A_100 : memref<80xi32, #tpu.memory_space<hbm>>) target(%arg7 : memref<80xi32, #tpu.memory_space<vmem>>) target_semaphore(%arg14 : memref<!tpu.dma_semaphore, #tpu.memory_space<semaphore_mem>>)
        %mul3A_101 = arith.constant 80 : i32
        %mul3A_102 = arith.muli %add3A_95, %mul3A_101 : i32
        %add3A_103 = arith.addi %mul3A_4, %mul3A_102 : i32
        %dma_start3A_104 = tpu.memref_slice %arg4[%add3A_103] : memref<320000xi32, #tpu.memory_space<hbm>> -> memref<80xi32, #tpu.memory_space<hbm>>
        %dma_start3A_105 = tpu.memref_slice %arg4[%add3A_103] : memref<320000xi32, #tpu.memory_space<hbm>> -> memref<80xi32, #tpu.memory_space<hbm>>
        tpu.enqueue_dma source(%dma_start3A_105 : memref<80xi32, #tpu.memory_space<hbm>>) target(%arg9 : memref<80xi32, #tpu.memory_space<vmem>>) target_semaphore(%arg14 : memref<!tpu.dma_semaphore, #tpu.memory_space<semaphore_mem>>)
      } else {
      }
      %add3A_66 = arith.constant 1 : i32
      %add3A_67 = arith.addi %add3A_49, %add3A_66 : i32
      %lt3A_68 = arith.constant 125 : i32
      %lt3A_69 = arith.cmpi slt, %add3A_67, %lt3A_68 : i32
      %convert_element_type3A_70 = arith.extui %lt3A_69 : i1 to i32
      %cond3A_71 = arith.constant 0 : i32
      %cond3A_72 = arith.cmpi ne, %convert_element_type3A_70, %cond3A_71 : i32
      scf.if %cond3A_72 {
        %dma_wait3A_94 = arith.constant 0 : i32
        %dma_wait3A_95 = arith.constant 0 : i32
        %dma_wait3A_96 = tpu.memref_slice %arg2[%dma_wait3A_94, %dma_wait3A_95] : memref<10000x128xf32, #tpu.memory_space<hbm>> -> memref<10000x128xf32, #tpu.memory_space<hbm>>
        tpu.wait_indirect_dma semaphore(%arg17 : memref<!tpu.dma_semaphore, #tpu.memory_space<semaphore_mem>>) src(%dma_wait3A_96 : memref<10000x128xf32, #tpu.memory_space<hbm>>) dst(%arg12 : memref<80x128xf32, #tpu.memory_space<vmem>>)
      } else {
      }
      %add3A_73 = arith.constant 2 : i32
      %add3A_74 = arith.addi %add3A_49, %add3A_73 : i32
      %lt3A_75 = arith.constant 125 : i32
      %lt3A_76 = arith.cmpi slt, %add3A_74, %lt3A_75 : i32
      %convert_element_type3A_77 = arith.extui %lt3A_76 : i1 to i32
      %cond3A_78 = arith.constant 0 : i32
      %cond3A_79 = arith.cmpi ne, %convert_element_type3A_77, %cond3A_78 : i32
      scf.if %cond3A_79 {
        %add3A_94 = arith.constant 2 : i32
        %add3A_95 = arith.addi %add3A_49, %add3A_94 : i32
        %mul3A_96 = arith.constant 80 : i32
        %mul3A_97 = arith.muli %add3A_95, %mul3A_96 : i32
        %add3A_98 = arith.addi %mul3A_4, %mul3A_97 : i32
        %dma_wait3A_99 = tpu.memref_slice %arg3[%add3A_98] : memref<320000xi32, #tpu.memory_space<hbm>> -> memref<80xi32, #tpu.memory_space<hbm>>
        %dma_wait3A_100 = tpu.memref_slice %arg3[%add3A_98] : memref<320000xi32, #tpu.memory_space<hbm>> -> memref<80xi32, #tpu.memory_space<hbm>>
        tpu.wait_dma2 semaphore(%arg14 : memref<!tpu.dma_semaphore, #tpu.memory_space<semaphore_mem>>) src(%dma_wait3A_100 : memref<80xi32, #tpu.memory_space<hbm>>) dst(%arg7 : memref<80xi32, #tpu.memory_space<vmem>>)
        %mul3A_101 = arith.constant 80 : i32
        %mul3A_102 = arith.muli %add3A_95, %mul3A_101 : i32
        %add3A_103 = arith.addi %mul3A_4, %mul3A_102 : i32
        %dma_wait3A_104 = tpu.memref_slice %arg4[%add3A_103] : memref<320000xi32, #tpu.memory_space<hbm>> -> memref<80xi32, #tpu.memory_space<hbm>>
        %dma_wait3A_105 = tpu.memref_slice %arg4[%add3A_103] : memref<320000xi32, #tpu.memory_space<hbm>> -> memref<80xi32, #tpu.memory_space<hbm>>
        tpu.wait_dma2 semaphore(%arg14 : memref<!tpu.dma_semaphore, #tpu.memory_space<semaphore_mem>>) src(%dma_wait3A_105 : memref<80xi32, #tpu.memory_space<hbm>>) dst(%arg9 : memref<80xi32, #tpu.memory_space<vmem>>)
        %dma_start3A_106 = arith.constant 0 : i32
        %dma_start3A_107 = arith.constant 0 : i32
        %dma_start3A_108 = tpu.memref_slice %arg2[%dma_start3A_106, %dma_start3A_107] : memref<10000x128xf32, #tpu.memory_space<hbm>> -> memref<10000x128xf32, #tpu.memory_space<hbm>>
        tpu.enqueue_indirect_dma source(%dma_start3A_108 : memref<10000x128xf32, #tpu.memory_space<hbm>>) target(%arg11 : memref<80x128xf32, #tpu.memory_space<vmem>>) offsets(%arg7 : memref<80xi32, #tpu.memory_space<vmem>>) semaphore(%arg16 : memref<!tpu.dma_semaphore, #tpu.memory_space<semaphore_mem>>)
      } else {
      }
      %add3A_80 = arith.constant 1 : i32
      %add3A_81 = arith.addi %add3A_49, %add3A_80 : i32
      %lt3A_82 = arith.constant 125 : i32
      %lt3A_83 = arith.cmpi slt, %add3A_81, %lt3A_82 : i32
      %convert_element_type3A_84 = arith.extui %lt3A_83 : i1 to i32
      %cond3A_85 = arith.constant 0 : i32
      %cond3A_86 = arith.cmpi ne, %convert_element_type3A_84, %cond3A_85 : i32
      scf.if %cond3A_86 {
        "tpu.region"() ({
          %run_scoped3A = tpu.sem_alloc : memref<!tpu.dma_semaphore, #tpu.memory_space<semaphore_mem>>
          %dma_start3A_94 = arith.constant 0 : i32
          %dma_start3A_95 = arith.constant 0 : i32
          %dma_start3A_96 = tpu.memref_slice %arg13[%dma_start3A_94, %dma_start3A_95] : memref<10000x128xf32, #tpu.memory_space<vmem_shared>> -> memref<10000x128xf32, #tpu.memory_space<vmem_shared>>
          tpu.enqueue_indirect_dma source(%arg12 : memref<80x128xf32, #tpu.memory_space<vmem>>) target(%dma_start3A_96 : memref<10000x128xf32, #tpu.memory_space<vmem_shared>>) offsets(%arg10 : memref<80xi32, #tpu.memory_space<vmem>>) semaphore(%run_scoped3A : memref<!tpu.dma_semaphore, #tpu.memory_space<semaphore_mem>>) {add = true}
          %dma_wait3A_97 = arith.constant 0 : i32
          %dma_wait3A_98 = arith.constant 0 : i32
          %dma_wait3A_99 = tpu.memref_slice %arg13[%dma_wait3A_97, %dma_wait3A_98] : memref<10000x128xf32, #tpu.memory_space<vmem_shared>> -> memref<10000x128xf32, #tpu.memory_space<vmem_shared>>
          tpu.wait_indirect_dma semaphore(%run_scoped3A : memref<!tpu.dma_semaphore, #tpu.memory_space<semaphore_mem>>) src(%arg12 : memref<80x128xf32, #tpu.memory_space<vmem>>) dst(%dma_wait3A_99 : memref<10000x128xf32, #tpu.memory_space<vmem_shared>>)
          tpu.yield
        }) : () -> ()
      } else {
      }
      %add3A_87 = arith.constant 3 : i32
      %add3A_88 = arith.addi %add3A_49, %add3A_87 : i32
      %lt3A_89 = arith.constant 125 : i32
      %lt3A_90 = arith.cmpi slt, %add3A_88, %lt3A_89 : i32
      %convert_element_type3A_91 = arith.extui %lt3A_90 : i1 to i32
      %cond3A_92 = arith.constant 0 : i32
      %cond3A_93 = arith.cmpi ne, %convert_element_type3A_91, %cond3A_92 : i32
      scf.if %cond3A_93 {
        %add3A_94 = arith.constant 3 : i32
        %add3A_95 = arith.addi %add3A_49, %add3A_94 : i32
        %mul3A_96 = arith.constant 80 : i32
        %mul3A_97 = arith.muli %add3A_95, %mul3A_96 : i32
        %add3A_98 = arith.addi %mul3A_4, %mul3A_97 : i32
        %dma_start3A_99 = tpu.memref_slice %arg3[%add3A_98] : memref<320000xi32, #tpu.memory_space<hbm>> -> memref<80xi32, #tpu.memory_space<hbm>>
        %dma_start3A_100 = tpu.memref_slice %arg3[%add3A_98] : memref<320000xi32, #tpu.memory_space<hbm>> -> memref<80xi32, #tpu.memory_space<hbm>>
        tpu.enqueue_dma source(%dma_start3A_100 : memref<80xi32, #tpu.memory_space<hbm>>) target(%arg8 : memref<80xi32, #tpu.memory_space<vmem>>) target_semaphore(%arg15 : memref<!tpu.dma_semaphore, #tpu.memory_space<semaphore_mem>>)
        %mul3A_101 = arith.constant 80 : i32
        %mul3A_102 = arith.muli %add3A_95, %mul3A_101 : i32
        %add3A_103 = arith.addi %mul3A_4, %mul3A_102 : i32
        %dma_start3A_104 = tpu.memref_slice %arg4[%add3A_103] : memref<320000xi32, #tpu.memory_space<hbm>> -> memref<80xi32, #tpu.memory_space<hbm>>
        %dma_start3A_105 = tpu.memref_slice %arg4[%add3A_103] : memref<320000xi32, #tpu.memory_space<hbm>> -> memref<80xi32, #tpu.memory_space<hbm>>
        tpu.enqueue_dma source(%dma_start3A_105 : memref<80xi32, #tpu.memory_space<hbm>>) target(%arg10 : memref<80xi32, #tpu.memory_space<vmem>>) target_semaphore(%arg15 : memref<!tpu.dma_semaphore, #tpu.memory_space<semaphore_mem>>)
      } else {
      }
    }
    %scan3A_35 = arith.constant 63 : i32
    %barrier3A_36 = arith.constant 0 : index
    tpu.barrier barrier_id(%barrier3A_36)
    %mul3A_37 = arith.constant 10000 : i32
    %mul3A_38 = arith.muli %arg0, %mul3A_37 : i32
    %add3A_39 = arith.addi %mul3A_38, %mul3A_2 : i32
    "tpu.region"() ({
      %run_scoped3A = tpu.sem_alloc : memref<!tpu.dma_semaphore, #tpu.memory_space<semaphore_mem>>
      %dma_start3A_45 = arith.constant 0 : i32
      %dma_start3A_46 = tpu.memref_slice %arg6[%add3A_39, %dma_start3A_45] : memref<20000x128xf32, #tpu.memory_space<hbm>> -> memref<624x128xf32, #tpu.memory_space<hbm>>
      %dma_start3A_47 = arith.constant 0 : i32
      %dma_start3A_48 = tpu.memref_slice %arg13[%mul3A_2, %dma_start3A_47] : memref<10000x128xf32, #tpu.memory_space<vmem_shared>> -> memref<624x128xf32, #tpu.memory_space<vmem_shared>>
      tpu.enqueue_dma source(%dma_start3A_48 : memref<624x128xf32, #tpu.memory_space<vmem_shared>>) target(%dma_start3A_46 : memref<624x128xf32, #tpu.memory_space<hbm>>) target_semaphore(%run_scoped3A : memref<!tpu.dma_semaphore, #tpu.memory_space<semaphore_mem>>)
      %dma_wait3A_49 = arith.constant 0 : i32
      %dma_wait3A_50 = tpu.memref_slice %arg6[%add3A_39, %dma_wait3A_49] : memref<20000x128xf32, #tpu.memory_space<hbm>> -> memref<624x128xf32, #tpu.memory_space<hbm>>
      %dma_wait3A_51 = arith.constant 0 : i32
      %dma_wait3A_52 = tpu.memref_slice %arg13[%mul3A_2, %dma_wait3A_51] : memref<10000x128xf32, #tpu.memory_space<vmem_shared>> -> memref<624x128xf32, #tpu.memory_space<vmem_shared>>
      tpu.wait_dma2 semaphore(%run_scoped3A : memref<!tpu.dma_semaphore, #tpu.memory_space<semaphore_mem>>) src(%dma_wait3A_52 : memref<624x128xf32, #tpu.memory_space<vmem_shared>>) dst(%dma_wait3A_50 : memref<624x128xf32, #tpu.memory_space<hbm>>)
      tpu.yield
    }) : () -> ()
    %eq3A_40 = arith.constant 0 : i32
    %eq3A_41 = arith.cmpi eq, %arg1, %eq3A_40 : i32
    %convert_element_type3A_42 = arith.extui %eq3A_41 : i1 to i32
    %cond3A_43 = arith.constant 0 : i32
    %cond3A_44 = arith.cmpi ne, %convert_element_type3A_42, %cond3A_43 : i32
    scf.if %cond3A_44 {
      %mul3A_45 = arith.constant 10000 : i32
      %mul3A_46 = arith.muli %arg0, %mul3A_45 : i32
      %add3A_47 = arith.constant 9984 : i32
      %add3A_48 = arith.addi %mul3A_46, %add3A_47 : i32
      "tpu.region"() ({
        %run_scoped3A = tpu.sem_alloc : memref<!tpu.dma_semaphore, #tpu.memory_space<semaphore_mem>>
        %dma_start3A_49 = arith.constant 0 : i32
        %dma_start3A_50 = tpu.memref_slice %arg6[%add3A_48, %dma_start3A_49] : memref<20000x128xf32, #tpu.memory_space<hbm>> -> memref<16x128xf32, #tpu.memory_space<hbm>>
        %dma_start3A_51 = arith.constant 9984 : i32
        %dma_start3A_52 = arith.constant 0 : i32
        %dma_start3A_53 = tpu.memref_slice %arg13[%dma_start3A_51, %dma_start3A_52] : memref<10000x128xf32, #tpu.memory_space<vmem_shared>> -> memref<16x128xf32, #tpu.memory_space<vmem_shared>>
        tpu.enqueue_dma source(%dma_start3A_53 : memref<16x128xf32, #tpu.memory_space<vmem_shared>>) target(%dma_start3A_50 : memref<16x128xf32, #tpu.memory_space<hbm>>) target_semaphore(%run_scoped3A : memref<!tpu.dma_semaphore, #tpu.memory_space<semaphore_mem>>)
        %dma_wait3A_54 = arith.constant 0 : i32
        %dma_wait3A_55 = tpu.memref_slice %arg6[%add3A_48, %dma_wait3A_54] : memref<20000x128xf32, #tpu.memory_space<hbm>> -> memref<16x128xf32, #tpu.memory_space<hbm>>
        %dma_wait3A_56 = arith.constant 9984 : i32
        %dma_wait3A_57 = arith.constant 0 : i32
        %dma_wait3A_58 = tpu.memref_slice %arg13[%dma_wait3A_56, %dma_wait3A_57] : memref<10000x128xf32, #tpu.memory_space<vmem_shared>> -> memref<16x128xf32, #tpu.memory_space<vmem_shared>>
        tpu.wait_dma2 semaphore(%run_scoped3A : memref<!tpu.dma_semaphore, #tpu.memory_space<semaphore_mem>>) src(%dma_wait3A_58 : memref<16x128xf32, #tpu.memory_space<vmem_shared>>) dst(%dma_wait3A_55 : memref<16x128xf32, #tpu.memory_space<hbm>>)
        tpu.yield
      }) : () -> ()
    } else {
    }
    return
  }
}

#map = affine_map<(d0, d1) -> (0, 0)>
#map1 = affine_map<(d0, d1) -> (0)>
module attributes {stable_mosaic.version = 14 : i64} {
  func.func @seg_sum(%arg0: i32, %arg1: i32, %arg2: memref<10000x128xf32, #tpu.memory_space<hbm>>, %arg3: memref<320000xi32, #tpu.memory_space<hbm>>, %arg4: memref<320000xi32, #tpu.memory_space<hbm>>, %arg5: memref<10000x128xf32, #tpu.memory_space<hbm>>, %arg6: memref<20000x128xf32, #tpu.memory_space<hbm>>, %arg7: memref<80xi32, #tpu.memory_space<vmem>>, %arg8: memref<80xi32, #tpu.memory_space<vmem>>, %arg9: memref<80xi32, #tpu.memory_space<vmem>>, %arg10: memref<80xi32, #tpu.memory_space<vmem>>, %arg11: memref<80x128xf32, #tpu.memory_space<vmem>>, %arg12: memref<80x128xf32, #tpu.memory_space<vmem>>, %arg13: memref<10000x128xf32, #tpu.memory_space<vmem_shared>>, %arg14: memref<!tpu.dma_semaphore, #tpu.memory_space<semaphore_mem>>, %arg15: memref<!tpu.dma_semaphore, #tpu.memory_space<semaphore_mem>>, %arg16: memref<!tpu.dma_semaphore, #tpu.memory_space<semaphore_mem>>, %arg17: memref<!tpu.dma_semaphore, #tpu.memory_space<semaphore_mem>>) attributes {dimension_semantics = [#tpu.dimension_semantics<core_parallel>, #tpu.dimension_semantics<subcore_parallel>], iteration_bounds = array<i64: 2, 16>, scalar_prefetch = 0 : i64, scratch_operands = 11 : i64, tpu.core_type = #tpu.core_type<sc_vector_subcore>, window_params = [{transform_indices = #map}, {transform_indices = #map1}, {transform_indices = #map1}, {transform_indices = #map}, {transform_indices = #map}]} {
    %mul3A = arith.constant 2 : i32
    %mul3A_0 = arith.muli %arg1, %mul3A : i32
    %add3A = arith.addi %mul3A_0, %arg0 : i32
    %mul3A_1 = arith.constant 624 : i32
    %mul3A_2 = arith.muli %arg1, %mul3A_1 : i32
    %mul3A_3 = arith.constant 10000 : i32
    %mul3A_4 = arith.muli %add3A, %mul3A_3 : i32
    "tpu.region"() ({
      %run_scoped3A = tpu.sem_alloc : memref<!tpu.dma_semaphore, #tpu.memory_space<semaphore_mem>>
      %dma_start3A_45 = arith.constant 0 : i32
      %dma_start3A_46 = tpu.memref_slice %arg13[%mul3A_2, %dma_start3A_45] : memref<10000x128xf32, #tpu.memory_space<vmem_shared>> -> memref<624x128xf32, #tpu.memory_space<vmem_shared>>
      %dma_start3A_47 = arith.constant 0 : i32
      %dma_start3A_48 = tpu.memref_slice %arg5[%mul3A_2, %dma_start3A_47] : memref<10000x128xf32, #tpu.memory_space<hbm>> -> memref<624x128xf32, #tpu.memory_space<hbm>>
      tpu.enqueue_dma source(%dma_start3A_48 : memref<624x128xf32, #tpu.memory_space<hbm>>) target(%dma_start3A_46 : memref<624x128xf32, #tpu.memory_space<vmem_shared>>) target_semaphore(%run_scoped3A : memref<!tpu.dma_semaphore, #tpu.memory_space<semaphore_mem>>)
      %dma_wait3A_49 = arith.constant 0 : i32
      %dma_wait3A_50 = tpu.memref_slice %arg13[%mul3A_2, %dma_wait3A_49] : memref<10000x128xf32, #tpu.memory_space<vmem_shared>> -> memref<624x128xf32, #tpu.memory_space<vmem_shared>>
      %dma_wait3A_51 = arith.constant 0 : i32
      %dma_wait3A_52 = tpu.memref_slice %arg5[%mul3A_2, %dma_wait3A_51] : memref<10000x128xf32, #tpu.memory_space<hbm>> -> memref<624x128xf32, #tpu.memory_space<hbm>>
      tpu.wait_dma2 semaphore(%run_scoped3A : memref<!tpu.dma_semaphore, #tpu.memory_space<semaphore_mem>>) src(%dma_wait3A_52 : memref<624x128xf32, #tpu.memory_space<hbm>>) dst(%dma_wait3A_50 : memref<624x128xf32, #tpu.memory_space<vmem_shared>>)
      tpu.yield
    }) : () -> ()
    %eq3A = arith.constant 0 : i32
    %eq3A_5 = arith.cmpi eq, %arg1, %eq3A : i32
    %convert_element_type3A = arith.extui %eq3A_5 : i1 to i32
    %cond3A = arith.constant 0 : i32
    %cond3A_6 = arith.cmpi ne, %convert_element_type3A, %cond3A : i32
    scf.if %cond3A_6 {
      "tpu.region"() ({
        %run_scoped3A = tpu.sem_alloc : memref<!tpu.dma_semaphore, #tpu.memory_space<semaphore_mem>>
        %dma_start3A_45 = arith.constant 9984 : i32
        %dma_start3A_46 = arith.constant 0 : i32
        %dma_start3A_47 = tpu.memref_slice %arg13[%dma_start3A_45, %dma_start3A_46] : memref<10000x128xf32, #tpu.memory_space<vmem_shared>> -> memref<16x128xf32, #tpu.memory_space<vmem_shared>>
        %dma_start3A_48 = arith.constant 9984 : i32
        %dma_start3A_49 = arith.constant 0 : i32
        %dma_start3A_50 = tpu.memref_slice %arg5[%dma_start3A_48, %dma_start3A_49] : memref<10000x128xf32, #tpu.memory_space<hbm>> -> memref<16x128xf32, #tpu.memory_space<hbm>>
        tpu.enqueue_dma source(%dma_start3A_50 : memref<16x128xf32, #tpu.memory_space<hbm>>) target(%dma_start3A_47 : memref<16x128xf32, #tpu.memory_space<vmem_shared>>) target_semaphore(%run_scoped3A : memref<!tpu.dma_semaphore, #tpu.memory_space<semaphore_mem>>)
        %dma_wait3A_51 = arith.constant 9984 : i32
        %dma_wait3A_52 = arith.constant 0 : i32
        %dma_wait3A_53 = tpu.memref_slice %arg13[%dma_wait3A_51, %dma_wait3A_52] : memref<10000x128xf32, #tpu.memory_space<vmem_shared>> -> memref<16x128xf32, #tpu.memory_space<vmem_shared>>
        %dma_wait3A_54 = arith.constant 9984 : i32
        %dma_wait3A_55 = arith.constant 0 : i32
        %dma_wait3A_56 = tpu.memref_slice %arg5[%dma_wait3A_54, %dma_wait3A_55] : memref<10000x128xf32, #tpu.memory_space<hbm>> -> memref<16x128xf32, #tpu.memory_space<hbm>>
        tpu.wait_dma2 semaphore(%run_scoped3A : memref<!tpu.dma_semaphore, #tpu.memory_space<semaphore_mem>>) src(%dma_wait3A_56 : memref<16x128xf32, #tpu.memory_space<hbm>>) dst(%dma_wait3A_53 : memref<16x128xf32, #tpu.memory_space<vmem_shared>>)
        tpu.yield
      }) : () -> ()
    } else {
    }
    %add3A_7 = arith.constant 0 : i32
    %add3A_8 = arith.addi %mul3A_4, %add3A_7 : i32
    %dma_start3A = tpu.memref_slice %arg3[%add3A_8] : memref<320000xi32, #tpu.memory_space<hbm>> -> memref<80xi32, #tpu.memory_space<hbm>>
    %dma_start3A_9 = tpu.memref_slice %arg3[%add3A_8] : memref<320000xi32, #tpu.memory_space<hbm>> -> memref<80xi32, #tpu.memory_space<hbm>>
    tpu.enqueue_dma source(%dma_start3A_9 : memref<80xi32, #tpu.memory_space<hbm>>) target(%arg7 : memref<80xi32, #tpu.memory_space<vmem>>) target_semaphore(%arg14 : memref<!tpu.dma_semaphore, #tpu.memory_space<semaphore_mem>>)
    %add3A_10 = arith.constant 0 : i32
    %add3A_11 = arith.addi %mul3A_4, %add3A_10 : i32
    %dma_start3A_12 = tpu.memref_slice %arg4[%add3A_11] : memref<320000xi32, #tpu.memory_space<hbm>> -> memref<80xi32, #tpu.memory_space<hbm>>
    %dma_start3A_13 = tpu.memref_slice %arg4[%add3A_11] : memref<320000xi32, #tpu.memory_space<hbm>> -> memref<80xi32, #tpu.memory_space<hbm>>
    tpu.enqueue_dma source(%dma_start3A_13 : memref<80xi32, #tpu.memory_space<hbm>>) target(%arg9 : memref<80xi32, #tpu.memory_space<vmem>>) target_semaphore(%arg14 : memref<!tpu.dma_semaphore, #tpu.memory_space<semaphore_mem>>)
    %add3A_14 = arith.constant 80 : i32
    %add3A_15 = arith.addi %mul3A_4, %add3A_14 : i32
    %dma_start3A_16 = tpu.memref_slice %arg3[%add3A_15] : memref<320000xi32, #tpu.memory_space<hbm>> -> memref<80xi32, #tpu.memory_space<hbm>>
    %dma_start3A_17 = tpu.memref_slice %arg3[%add3A_15] : memref<320000xi32, #tpu.memory_space<hbm>> -> memref<80xi32, #tpu.memory_space<hbm>>
    tpu.enqueue_dma source(%dma_start3A_17 : memref<80xi32, #tpu.memory_space<hbm>>) target(%arg8 : memref<80xi32, #tpu.memory_space<vmem>>) target_semaphore(%arg15 : memref<!tpu.dma_semaphore, #tpu.memory_space<semaphore_mem>>)
    %add3A_18 = arith.constant 80 : i32
    %add3A_19 = arith.addi %mul3A_4, %add3A_18 : i32
    %dma_start3A_20 = tpu.memref_slice %arg4[%add3A_19] : memref<320000xi32, #tpu.memory_space<hbm>> -> memref<80xi32, #tpu.memory_space<hbm>>
    %dma_start3A_21 = tpu.memref_slice %arg4[%add3A_19] : memref<320000xi32, #tpu.memory_space<hbm>> -> memref<80xi32, #tpu.memory_space<hbm>>
    tpu.enqueue_dma source(%dma_start3A_21 : memref<80xi32, #tpu.memory_space<hbm>>) target(%arg10 : memref<80xi32, #tpu.memory_space<vmem>>) target_semaphore(%arg15 : memref<!tpu.dma_semaphore, #tpu.memory_space<semaphore_mem>>)
    %barrier3A = arith.constant 0 : index
    tpu.barrier barrier_id(%barrier3A)
    %add3A_22 = arith.constant 0 : i32
    %add3A_23 = arith.addi %mul3A_4, %add3A_22 : i32
    %dma_wait3A = tpu.memref_slice %arg3[%add3A_23] : memref<320000xi32, #tpu.memory_space<hbm>> -> memref<80xi32, #tpu.memory_space<hbm>>
    %dma_wait3A_24 = tpu.memref_slice %arg3[%add3A_23] : memref<320000xi32, #tpu.memory_space<hbm>> -> memref<80xi32, #tpu.memory_space<hbm>>
    tpu.wait_dma2 semaphore(%arg14 : memref<!tpu.dma_semaphore, #tpu.memory_space<semaphore_mem>>) src(%dma_wait3A_24 : memref<80xi32, #tpu.memory_space<hbm>>) dst(%arg7 : memref<80xi32, #tpu.memory_space<vmem>>)
    %add3A_25 = arith.constant 0 : i32
    %add3A_26 = arith.addi %mul3A_4, %add3A_25 : i32
    %dma_wait3A_27 = tpu.memref_slice %arg4[%add3A_26] : memref<320000xi32, #tpu.memory_space<hbm>> -> memref<80xi32, #tpu.memory_space<hbm>>
    %dma_wait3A_28 = tpu.memref_slice %arg4[%add3A_26] : memref<320000xi32, #tpu.memory_space<hbm>> -> memref<80xi32, #tpu.memory_space<hbm>>
    tpu.wait_dma2 semaphore(%arg14 : memref<!tpu.dma_semaphore, #tpu.memory_space<semaphore_mem>>) src(%dma_wait3A_28 : memref<80xi32, #tpu.memory_space<hbm>>) dst(%arg9 : memref<80xi32, #tpu.memory_space<vmem>>)
    %dma_start3A_29 = arith.constant 0 : i32
    %dma_start3A_30 = arith.constant 0 : i32
    %dma_start3A_31 = tpu.memref_slice %arg2[%dma_start3A_29, %dma_start3A_30] : memref<10000x128xf32, #tpu.memory_space<hbm>> -> memref<10000x128xf32, #tpu.memory_space<hbm>>
    tpu.enqueue_indirect_dma source(%dma_start3A_31 : memref<10000x128xf32, #tpu.memory_space<hbm>>) target(%arg11 : memref<80x128xf32, #tpu.memory_space<vmem>>) offsets(%arg7 : memref<80xi32, #tpu.memory_space<vmem>>) semaphore(%arg16 : memref<!tpu.dma_semaphore, #tpu.memory_space<semaphore_mem>>)
    %scan3A = arith.constant 0 : i32
    %scan3A_32 = arith.constant 63 : i32
    %scan3A_33 = arith.addi %scan3A, %scan3A_32 : i32
    %scan3A_34 = arith.constant 1 : i32
    scf.for %scan3A_45 = %scan3A to %scan3A_33 step %scan3A_34  : i32 {
      %mul3A_46 = arith.constant 2 : i32
      %mul3A_47 = arith.muli %scan3A_45, %mul3A_46 : i32
      %add3A_48 = arith.constant 0 : i32
      %add3A_49 = arith.addi %add3A_48, %mul3A_47 : i32
      %add3A_50 = arith.constant 1 : i32
      %add3A_51 = arith.addi %add3A_49, %add3A_50 : i32
      %lt3A = arith.constant 125 : i32
      %lt3A_52 = arith.cmpi slt, %add3A_51, %lt3A : i32
      %convert_element_type3A_53 = arith.extui %lt3A_52 : i1 to i32
      %cond3A_54 = arith.constant 0 : i32
      %cond3A_55 = arith.cmpi ne, %convert_element_type3A_53, %cond3A_54 : i32
      scf.if %cond3A_55 {
        %add3A_94 = arith.constant 1 : i32
        %add3A_95 = arith.addi %add3A_49, %add3A_94 : i32
        %mul3A_96 = arith.constant 80 : i32
        %mul3A_97 = arith.muli %add3A_95, %mul3A_96 : i32
        %add3A_98 = arith.addi %mul3A_4, %mul3A_97 : i32
        %dma_wait3A_99 = tpu.memref_slice %arg3[%add3A_98] : memref<320000xi32, #tpu.memory_space<hbm>> -> memref<80xi32, #tpu.memory_space<hbm>>
        %dma_wait3A_100 = tpu.memref_slice %arg3[%add3A_98] : memref<320000xi32, #tpu.memory_space<hbm>> -> memref<80xi32, #tpu.memory_space<hbm>>
        tpu.wait_dma2 semaphore(%arg15 : memref<!tpu.dma_semaphore, #tpu.memory_space<semaphore_mem>>) src(%dma_wait3A_100 : memref<80xi32, #tpu.memory_space<hbm>>) dst(%arg8 : memref<80xi32, #tpu.memory_space<vmem>>)
        %mul3A_101 = arith.constant 80 : i32
        %mul3A_102 = arith.muli %add3A_95, %mul3A_101 : i32
        %add3A_103 = arith.addi %mul3A_4, %mul3A_102 : i32
        %dma_wait3A_104 = tpu.memref_slice %arg4[%add3A_103] : memref<320000xi32, #tpu.memory_space<hbm>> -> memref<80xi32, #tpu.memory_space<hbm>>
        %dma_wait3A_105 = tpu.memref_slice %arg4[%add3A_103] : memref<320000xi32, #tpu.memory_space<hbm>> -> memref<80xi32, #tpu.memory_space<hbm>>
        tpu.wait_dma2 semaphore(%arg15 : memref<!tpu.dma_semaphore, #tpu.memory_space<semaphore_mem>>) src(%dma_wait3A_105 : memref<80xi32, #tpu.memory_space<hbm>>) dst(%arg10 : memref<80xi32, #tpu.memory_space<vmem>>)
        %dma_start3A_106 = arith.constant 0 : i32
        %dma_start3A_107 = arith.constant 0 : i32
        %dma_start3A_108 = tpu.memref_slice %arg2[%dma_start3A_106, %dma_start3A_107] : memref<10000x128xf32, #tpu.memory_space<hbm>> -> memref<10000x128xf32, #tpu.memory_space<hbm>>
        tpu.enqueue_indirect_dma source(%dma_start3A_108 : memref<10000x128xf32, #tpu.memory_space<hbm>>) target(%arg12 : memref<80x128xf32, #tpu.memory_space<vmem>>) offsets(%arg8 : memref<80xi32, #tpu.memory_space<vmem>>) semaphore(%arg17 : memref<!tpu.dma_semaphore, #tpu.memory_space<semaphore_mem>>)
      } else {
      }
      %dma_wait3A_56 = arith.constant 0 : i32
      %dma_wait3A_57 = arith.constant 0 : i32
      %dma_wait3A_58 = tpu.memref_slice %arg2[%dma_wait3A_56, %dma_wait3A_57] : memref<10000x128xf32, #tpu.memory_space<hbm>> -> memref<10000x128xf32, #tpu.memory_space<hbm>>
      tpu.wait_indirect_dma semaphore(%arg16 : memref<!tpu.dma_semaphore, #tpu.memory_space<semaphore_mem>>) src(%dma_wait3A_58 : memref<10000x128xf32, #tpu.memory_space<hbm>>) dst(%arg11 : memref<80x128xf32, #tpu.memory_space<vmem>>)
      "tpu.region"() ({
        %run_scoped3A = tpu.sem_alloc : memref<!tpu.dma_semaphore, #tpu.memory_space<semaphore_mem>>
        %dma_start3A_94 = arith.constant 0 : i32
        %dma_start3A_95 = arith.constant 0 : i32
        %dma_start3A_96 = tpu.memref_slice %arg13[%dma_start3A_94, %dma_start3A_95] : memref<10000x128xf32, #tpu.memory_space<vmem_shared>> -> memref<10000x128xf32, #tpu.memory_space<vmem_shared>>
        tpu.enqueue_indirect_dma source(%arg11 : memref<80x128xf32, #tpu.memory_space<vmem>>) target(%dma_start3A_96 : memref<10000x128xf32, #tpu.memory_space<vmem_shared>>) offsets(%arg9 : memref<80xi32, #tpu.memory_space<vmem>>) semaphore(%run_scoped3A : memref<!tpu.dma_semaphore, #tpu.memory_space<semaphore_mem>>) {add = true}
        %dma_wait3A_97 = arith.constant 0 : i32
        %dma_wait3A_98 = arith.constant 0 : i32
        %dma_wait3A_99 = tpu.memref_slice %arg13[%dma_wait3A_97, %dma_wait3A_98] : memref<10000x128xf32, #tpu.memory_space<vmem_shared>> -> memref<10000x128xf32, #tpu.memory_space<vmem_shared>>
        tpu.wait_indirect_dma semaphore(%run_scoped3A : memref<!tpu.dma_semaphore, #tpu.memory_space<semaphore_mem>>) src(%arg11 : memref<80x128xf32, #tpu.memory_space<vmem>>) dst(%dma_wait3A_99 : memref<10000x128xf32, #tpu.memory_space<vmem_shared>>)
        tpu.yield
      }) : () -> ()
      %add3A_59 = arith.constant 2 : i32
      %add3A_60 = arith.addi %add3A_49, %add3A_59 : i32
      %lt3A_61 = arith.constant 125 : i32
      %lt3A_62 = arith.cmpi slt, %add3A_60, %lt3A_61 : i32
      %convert_element_type3A_63 = arith.extui %lt3A_62 : i1 to i32
      %cond3A_64 = arith.constant 0 : i32
      %cond3A_65 = arith.cmpi ne, %convert_element_type3A_63, %cond3A_64 : i32
      scf.if %cond3A_65 {
        %add3A_94 = arith.constant 2 : i32
        %add3A_95 = arith.addi %add3A_49, %add3A_94 : i32
        %mul3A_96 = arith.constant 80 : i32
        %mul3A_97 = arith.muli %add3A_95, %mul3A_96 : i32
        %add3A_98 = arith.addi %mul3A_4, %mul3A_97 : i32
        %dma_start3A_99 = tpu.memref_slice %arg3[%add3A_98] : memref<320000xi32, #tpu.memory_space<hbm>> -> memref<80xi32, #tpu.memory_space<hbm>>
        %dma_start3A_100 = tpu.memref_slice %arg3[%add3A_98] : memref<320000xi32, #tpu.memory_space<hbm>> -> memref<80xi32, #tpu.memory_space<hbm>>
        tpu.enqueue_dma source(%dma_start3A_100 : memref<80xi32, #tpu.memory_space<hbm>>) target(%arg7 : memref<80xi32, #tpu.memory_space<vmem>>) target_semaphore(%arg14 : memref<!tpu.dma_semaphore, #tpu.memory_space<semaphore_mem>>)
        %mul3A_101 = arith.constant 80 : i32
        %mul3A_102 = arith.muli %add3A_95, %mul3A_101 : i32
        %add3A_103 = arith.addi %mul3A_4, %mul3A_102 : i32
        %dma_start3A_104 = tpu.memref_slice %arg4[%add3A_103] : memref<320000xi32, #tpu.memory_space<hbm>> -> memref<80xi32, #tpu.memory_space<hbm>>
        %dma_start3A_105 = tpu.memref_slice %arg4[%add3A_103] : memref<320000xi32, #tpu.memory_space<hbm>> -> memref<80xi32, #tpu.memory_space<hbm>>
        tpu.enqueue_dma source(%dma_start3A_105 : memref<80xi32, #tpu.memory_space<hbm>>) target(%arg9 : memref<80xi32, #tpu.memory_space<vmem>>) target_semaphore(%arg14 : memref<!tpu.dma_semaphore, #tpu.memory_space<semaphore_mem>>)
      } else {
      }
      %add3A_66 = arith.constant 1 : i32
      %add3A_67 = arith.addi %add3A_49, %add3A_66 : i32
      %lt3A_68 = arith.constant 125 : i32
      %lt3A_69 = arith.cmpi slt, %add3A_67, %lt3A_68 : i32
      %convert_element_type3A_70 = arith.extui %lt3A_69 : i1 to i32
      %cond3A_71 = arith.constant 0 : i32
      %cond3A_72 = arith.cmpi ne, %convert_element_type3A_70, %cond3A_71 : i32
      scf.if %cond3A_72 {
        %dma_wait3A_94 = arith.constant 0 : i32
        %dma_wait3A_95 = arith.constant 0 : i32
        %dma_wait3A_96 = tpu.memref_slice %arg2[%dma_wait3A_94, %dma_wait3A_95] : memref<10000x128xf32, #tpu.memory_space<hbm>> -> memref<10000x128xf32, #tpu.memory_space<hbm>>
        tpu.wait_indirect_dma semaphore(%arg17 : memref<!tpu.dma_semaphore, #tpu.memory_space<semaphore_mem>>) src(%dma_wait3A_96 : memref<10000x128xf32, #tpu.memory_space<hbm>>) dst(%arg12 : memref<80x128xf32, #tpu.memory_space<vmem>>)
      } else {
      }
      %add3A_73 = arith.constant 2 : i32
      %add3A_74 = arith.addi %add3A_49, %add3A_73 : i32
      %lt3A_75 = arith.constant 125 : i32
      %lt3A_76 = arith.cmpi slt, %add3A_74, %lt3A_75 : i32
      %convert_element_type3A_77 = arith.extui %lt3A_76 : i1 to i32
      %cond3A_78 = arith.constant 0 : i32
      %cond3A_79 = arith.cmpi ne, %convert_element_type3A_77, %cond3A_78 : i32
      scf.if %cond3A_79 {
        %add3A_94 = arith.constant 2 : i32
        %add3A_95 = arith.addi %add3A_49, %add3A_94 : i32
        %mul3A_96 = arith.constant 80 : i32
        %mul3A_97 = arith.muli %add3A_95, %mul3A_96 : i32
        %add3A_98 = arith.addi %mul3A_4, %mul3A_97 : i32
        %dma_wait3A_99 = tpu.memref_slice %arg3[%add3A_98] : memref<320000xi32, #tpu.memory_space<hbm>> -> memref<80xi32, #tpu.memory_space<hbm>>
        %dma_wait3A_100 = tpu.memref_slice %arg3[%add3A_98] : memref<320000xi32, #tpu.memory_space<hbm>> -> memref<80xi32, #tpu.memory_space<hbm>>
        tpu.wait_dma2 semaphore(%arg14 : memref<!tpu.dma_semaphore, #tpu.memory_space<semaphore_mem>>) src(%dma_wait3A_100 : memref<80xi32, #tpu.memory_space<hbm>>) dst(%arg7 : memref<80xi32, #tpu.memory_space<vmem>>)
        %mul3A_101 = arith.constant 80 : i32
        %mul3A_102 = arith.muli %add3A_95, %mul3A_101 : i32
        %add3A_103 = arith.addi %mul3A_4, %mul3A_102 : i32
        %dma_wait3A_104 = tpu.memref_slice %arg4[%add3A_103] : memref<320000xi32, #tpu.memory_space<hbm>> -> memref<80xi32, #tpu.memory_space<hbm>>
        %dma_wait3A_105 = tpu.memref_slice %arg4[%add3A_103] : memref<320000xi32, #tpu.memory_space<hbm>> -> memref<80xi32, #tpu.memory_space<hbm>>
        tpu.wait_dma2 semaphore(%arg14 : memref<!tpu.dma_semaphore, #tpu.memory_space<semaphore_mem>>) src(%dma_wait3A_105 : memref<80xi32, #tpu.memory_space<hbm>>) dst(%arg9 : memref<80xi32, #tpu.memory_space<vmem>>)
        %dma_start3A_106 = arith.constant 0 : i32
        %dma_start3A_107 = arith.constant 0 : i32
        %dma_start3A_108 = tpu.memref_slice %arg2[%dma_start3A_106, %dma_start3A_107] : memref<10000x128xf32, #tpu.memory_space<hbm>> -> memref<10000x128xf32, #tpu.memory_space<hbm>>
        tpu.enqueue_indirect_dma source(%dma_start3A_108 : memref<10000x128xf32, #tpu.memory_space<hbm>>) target(%arg11 : memref<80x128xf32, #tpu.memory_space<vmem>>) offsets(%arg7 : memref<80xi32, #tpu.memory_space<vmem>>) semaphore(%arg16 : memref<!tpu.dma_semaphore, #tpu.memory_space<semaphore_mem>>)
      } else {
      }
      %add3A_80 = arith.constant 1 : i32
      %add3A_81 = arith.addi %add3A_49, %add3A_80 : i32
      %lt3A_82 = arith.constant 125 : i32
      %lt3A_83 = arith.cmpi slt, %add3A_81, %lt3A_82 : i32
      %convert_element_type3A_84 = arith.extui %lt3A_83 : i1 to i32
      %cond3A_85 = arith.constant 0 : i32
      %cond3A_86 = arith.cmpi ne, %convert_element_type3A_84, %cond3A_85 : i32
      scf.if %cond3A_86 {
        "tpu.region"() ({
          %run_scoped3A = tpu.sem_alloc : memref<!tpu.dma_semaphore, #tpu.memory_space<semaphore_mem>>
          %dma_start3A_94 = arith.constant 0 : i32
          %dma_start3A_95 = arith.constant 0 : i32
          %dma_start3A_96 = tpu.memref_slice %arg13[%dma_start3A_94, %dma_start3A_95] : memref<10000x128xf32, #tpu.memory_space<vmem_shared>> -> memref<10000x128xf32, #tpu.memory_space<vmem_shared>>
          tpu.enqueue_indirect_dma source(%arg12 : memref<80x128xf32, #tpu.memory_space<vmem>>) target(%dma_start3A_96 : memref<10000x128xf32, #tpu.memory_space<vmem_shared>>) offsets(%arg10 : memref<80xi32, #tpu.memory_space<vmem>>) semaphore(%run_scoped3A : memref<!tpu.dma_semaphore, #tpu.memory_space<semaphore_mem>>) {add = true}
          %dma_wait3A_97 = arith.constant 0 : i32
          %dma_wait3A_98 = arith.constant 0 : i32
          %dma_wait3A_99 = tpu.memref_slice %arg13[%dma_wait3A_97, %dma_wait3A_98] : memref<10000x128xf32, #tpu.memory_space<vmem_shared>> -> memref<10000x128xf32, #tpu.memory_space<vmem_shared>>
          tpu.wait_indirect_dma semaphore(%run_scoped3A : memref<!tpu.dma_semaphore, #tpu.memory_space<semaphore_mem>>) src(%arg12 : memref<80x128xf32, #tpu.memory_space<vmem>>) dst(%dma_wait3A_99 : memref<10000x128xf32, #tpu.memory_space<vmem_shared>>)
          tpu.yield
        }) : () -> ()
      } else {
      }
      %add3A_87 = arith.constant 3 : i32
      %add3A_88 = arith.addi %add3A_49, %add3A_87 : i32
      %lt3A_89 = arith.constant 125 : i32
      %lt3A_90 = arith.cmpi slt, %add3A_88, %lt3A_89 : i32
      %convert_element_type3A_91 = arith.extui %lt3A_90 : i1 to i32
      %cond3A_92 = arith.constant 0 : i32
      %cond3A_93 = arith.cmpi ne, %convert_element_type3A_91, %cond3A_92 : i32
      scf.if %cond3A_93 {
        %add3A_94 = arith.constant 3 : i32
        %add3A_95 = arith.addi %add3A_49, %add3A_94 : i32
        %mul3A_96 = arith.constant 80 : i32
        %mul3A_97 = arith.muli %add3A_95, %mul3A_96 : i32
        %add3A_98 = arith.addi %mul3A_4, %mul3A_97 : i32
        %dma_start3A_99 = tpu.memref_slice %arg3[%add3A_98] : memref<320000xi32, #tpu.memory_space<hbm>> -> memref<80xi32, #tpu.memory_space<hbm>>
        %dma_start3A_100 = tpu.memref_slice %arg3[%add3A_98] : memref<320000xi32, #tpu.memory_space<hbm>> -> memref<80xi32, #tpu.memory_space<hbm>>
        tpu.enqueue_dma source(%dma_start3A_100 : memref<80xi32, #tpu.memory_space<hbm>>) target(%arg8 : memref<80xi32, #tpu.memory_space<vmem>>) target_semaphore(%arg15 : memref<!tpu.dma_semaphore, #tpu.memory_space<semaphore_mem>>)
        %mul3A_101 = arith.constant 80 : i32
        %mul3A_102 = arith.muli %add3A_95, %mul3A_101 : i32
        %add3A_103 = arith.addi %mul3A_4, %mul3A_102 : i32
        %dma_start3A_104 = tpu.memref_slice %arg4[%add3A_103] : memref<320000xi32, #tpu.memory_space<hbm>> -> memref<80xi32, #tpu.memory_space<hbm>>
        %dma_start3A_105 = tpu.memref_slice %arg4[%add3A_103] : memref<320000xi32, #tpu.memory_space<hbm>> -> memref<80xi32, #tpu.memory_space<hbm>>
        tpu.enqueue_dma source(%dma_start3A_105 : memref<80xi32, #tpu.memory_space<hbm>>) target(%arg10 : memref<80xi32, #tpu.memory_space<vmem>>) target_semaphore(%arg15 : memref<!tpu.dma_semaphore, #tpu.memory_space<semaphore_mem>>)
      } else {
      }
    }
    %scan3A_35 = arith.constant 63 : i32
    %barrier3A_36 = arith.constant 0 : index
    tpu.barrier barrier_id(%barrier3A_36)
    %mul3A_37 = arith.constant 10000 : i32
    %mul3A_38 = arith.muli %arg0, %mul3A_37 : i32
    %add3A_39 = arith.addi %mul3A_38, %mul3A_2 : i32
    "tpu.region"() ({
      %run_scoped3A = tpu.sem_alloc : memref<!tpu.dma_semaphore, #tpu.memory_space<semaphore_mem>>
      %dma_start3A_45 = arith.constant 0 : i32
      %dma_start3A_46 = tpu.memref_slice %arg6[%add3A_39, %dma_start3A_45] : memref<20000x128xf32, #tpu.memory_space<hbm>> -> memref<624x128xf32, #tpu.memory_space<hbm>>
      %dma_start3A_47 = arith.constant 0 : i32
      %dma_start3A_48 = tpu.memref_slice %arg13[%mul3A_2, %dma_start3A_47] : memref<10000x128xf32, #tpu.memory_space<vmem_shared>> -> memref<624x128xf32, #tpu.memory_space<vmem_shared>>
      tpu.enqueue_dma source(%dma_start3A_48 : memref<624x128xf32, #tpu.memory_space<vmem_shared>>) target(%dma_start3A_46 : memref<624x128xf32, #tpu.memory_space<hbm>>) target_semaphore(%run_scoped3A : memref<!tpu.dma_semaphore, #tpu.memory_space<semaphore_mem>>)
      %dma_wait3A_49 = arith.constant 0 : i32
      %dma_wait3A_50 = tpu.memref_slice %arg6[%add3A_39, %dma_wait3A_49] : memref<20000x128xf32, #tpu.memory_space<hbm>> -> memref<624x128xf32, #tpu.memory_space<hbm>>
      %dma_wait3A_51 = arith.constant 0 : i32
      %dma_wait3A_52 = tpu.memref_slice %arg13[%mul3A_2, %dma_wait3A_51] : memref<10000x128xf32, #tpu.memory_space<vmem_shared>> -> memref<624x128xf32, #tpu.memory_space<vmem_shared>>
      tpu.wait_dma2 semaphore(%run_scoped3A : memref<!tpu.dma_semaphore, #tpu.memory_space<semaphore_mem>>) src(%dma_wait3A_52 : memref<624x128xf32, #tpu.memory_space<vmem_shared>>) dst(%dma_wait3A_50 : memref<624x128xf32, #tpu.memory_space<hbm>>)
      tpu.yield
    }) : () -> ()
    %eq3A_40 = arith.constant 0 : i32
    %eq3A_41 = arith.cmpi eq, %arg1, %eq3A_40 : i32
    %convert_element_type3A_42 = arith.extui %eq3A_41 : i1 to i32
    %cond3A_43 = arith.constant 0 : i32
    %cond3A_44 = arith.cmpi ne, %convert_element_type3A_42, %cond3A_43 : i32
    scf.if %cond3A_44 {
      %mul3A_45 = arith.constant 10000 : i32
      %mul3A_46 = arith.muli %arg0, %mul3A_45 : i32
      %add3A_47 = arith.constant 9984 : i32
      %add3A_48 = arith.addi %mul3A_46, %add3A_47 : i32
      "tpu.region"() ({
        %run_scoped3A = tpu.sem_alloc : memref<!tpu.dma_semaphore, #tpu.memory_space<semaphore_mem>>
        %dma_start3A_49 = arith.constant 0 : i32
        %dma_start3A_50 = tpu.memref_slice %arg6[%add3A_48, %dma_start3A_49] : memref<20000x128xf32, #tpu.memory_space<hbm>> -> memref<16x128xf32, #tpu.memory_space<hbm>>
        %dma_start3A_51 = arith.constant 9984 : i32
        %dma_start3A_52 = arith.constant 0 : i32
        %dma_start3A_53 = tpu.memref_slice %arg13[%dma_start3A_51, %dma_start3A_52] : memref<10000x128xf32, #tpu.memory_space<vmem_shared>> -> memref<16x128xf32, #tpu.memory_space<vmem_shared>>
        tpu.enqueue_dma source(%dma_start3A_53 : memref<16x128xf32, #tpu.memory_space<vmem_shared>>) target(%dma_start3A_50 : memref<16x128xf32, #tpu.memory_space<hbm>>) target_semaphore(%run_scoped3A : memref<!tpu.dma_semaphore, #tpu.memory_space<semaphore_mem>>)
        %dma_wait3A_54 = arith.constant 0 : i32
        %dma_wait3A_55 = tpu.memref_slice %arg6[%add3A_48, %dma_wait3A_54] : memref<20000x128xf32, #tpu.memory_space<hbm>> -> memref<16x128xf32, #tpu.memory_space<hbm>>
        %dma_wait3A_56 = arith.constant 9984 : i32
        %dma_wait3A_57 = arith.constant 0 : i32
        %dma_wait3A_58 = tpu.memref_slice %arg13[%dma_wait3A_56, %dma_wait3A_57] : memref<10000x128xf32, #tpu.memory_space<vmem_shared>> -> memref<16x128xf32, #tpu.memory_space<vmem_shared>>
        tpu.wait_dma2 semaphore(%run_scoped3A : memref<!tpu.dma_semaphore, #tpu.memory_space<semaphore_mem>>) src(%dma_wait3A_58 : memref<16x128xf32, #tpu.memory_space<vmem_shared>>) dst(%dma_wait3A_55 : memref<16x128xf32, #tpu.memory_space<hbm>>)
        tpu.yield
      }) : () -> ()
    } else {
    }
    return
  }
}

module attributes {stable_mosaic.version = 14 : i64} {
  func.func @body(%arg0: i32, %arg1: memref<1000x128xf32, #tpu.memory_space<vmem>>, %arg2: memref<1000x128xf32, #tpu.memory_space<vmem>>, %arg3: memref<1000x128xf32, #tpu.memory_space<vmem>>, %arg4: memref<1000x128xf32, #tpu.memory_space<vmem>>, %arg5: memref<1000x128xf32, #tpu.memory_space<vmem>>, %arg6: memref<128x128xf32, #tpu.memory_space<vmem>>, %arg7: memref<1x128xf32, #tpu.memory_space<vmem>>, %arg8: memref<128x128xf32, #tpu.memory_space<vmem>>, %arg9: memref<1000x128xf32, #tpu.memory_space<vmem>>, %arg10: memref<2x128xf32, #tpu.memory_space<vmem>>) attributes {dimension_semantics = [#tpu.dimension_semantics<arbitrary>], iteration_bounds = array<i64: 10>, scalar_prefetch = 0 : i64, scratch_operands = 0 : i64, tpu.core_type = #tpu.core_type<tc>, window_params = [{transform_indices = @transform_0, window_bounds = array<i64: 1000, 128>}, {transform_indices = @transform_1, window_bounds = array<i64: 1000, 128>}, {transform_indices = @transform_2, window_bounds = array<i64: 1000, 128>}, {transform_indices = @transform_3, window_bounds = array<i64: 1000, 128>}, {transform_indices = @transform_4, window_bounds = array<i64: 1000, 128>}, {pipeline_mode = #tpu.pipeline_mode<synchronous>, transform_indices = @transform_5, window_bounds = array<i64: 128, 128>}, {pipeline_mode = #tpu.pipeline_mode<synchronous>, transform_indices = @transform_6, window_bounds = array<i64: 1, 128>}, {pipeline_mode = #tpu.pipeline_mode<synchronous>, transform_indices = @transform_7, window_bounds = array<i64: 128, 128>}, {transform_indices = @transform_8, window_bounds = array<i64: 1000, 128>}, {pipeline_mode = #tpu.pipeline_mode<synchronous>, transform_indices = @transform_9, window_bounds = array<i64: 2, 128>}]} {
    %get3A = arith.constant 0 : index
    %get3A_0 = arith.constant 0 : index
    %get3A_1 = vector.load %arg2[%get3A, %get3A_0] : memref<1000x128xf32, #tpu.memory_space<vmem>>, vector<1000x128xf32>
    %get3A_2 = arith.constant 0 : index
    %get3A_3 = arith.constant 0 : index
    %get3A_4 = vector.load %arg3[%get3A_2, %get3A_3] : memref<1000x128xf32, #tpu.memory_space<vmem>>, vector<1000x128xf32>
    %add3A = arith.addf %get3A_1, %get3A_4 : vector<1000x128xf32>
    %get3A_5 = arith.constant 0 : index
    %get3A_6 = arith.constant 0 : index
    %get3A_7 = vector.load %arg4[%get3A_5, %get3A_6] : memref<1000x128xf32, #tpu.memory_space<vmem>>, vector<1000x128xf32>
    %get3A_8 = arith.constant 0 : index
    %get3A_9 = arith.constant 0 : index
    %get3A_10 = vector.load %arg5[%get3A_8, %get3A_9] : memref<1000x128xf32, #tpu.memory_space<vmem>>, vector<1000x128xf32>
    %add3A_11 = arith.addf %get3A_7, %get3A_10 : vector<1000x128xf32>
    %max3A = arith.constant 1.000000e+00 : f32
    %max3A_12 = vector.broadcast %max3A : f32 to vector<1000x128xf32>
    %max3A_13 = arith.maximumf %add3A_11, %max3A_12 : vector<1000x128xf32>
    %div3A = arith.divf %add3A, %max3A_13 : vector<1000x128xf32>
    %get3A_14 = arith.constant 0 : index
    %get3A_15 = arith.constant 0 : index
    %get3A_16 = vector.load %arg6[%get3A_14, %get3A_15] : memref<128x128xf32, #tpu.memory_space<vmem>>, vector<128x128xf32>
    %dot_general3A = arith.constant dense<0.000000e+00> : vector<1000x128xf32>
    %dot_general3A_17 = tpu.matmul %div3A, %get3A_16, %dot_general3A {dimension_numbers = #tpu.dot_dimension_numbers<[1], [1], [0], [0], [0, 0, 1, 0], [], []>, precision = #tpu.contract_precision<fp32>, transpose_lhs_hint = false} : vector<1000x128xf32>, vector<128x128xf32>, vector<1000x128xf32> -> vector<1000x128xf32>
    %get3A_18 = arith.constant 0 : index
    %get3A_19 = arith.constant 0 : index
    %get3A_20 = vector.load %arg7[%get3A_18, %get3A_19] : memref<1x128xf32, #tpu.memory_space<vmem>>, vector<1x128xf32>
    %add3A_21 = vector.broadcast %get3A_20 : vector<1x128xf32> to vector<1000x128xf32>
    %add3A_22 = arith.addf %dot_general3A_17, %add3A_21 : vector<1000x128xf32>
    %get3A_23 = arith.constant 0 : index
    %get3A_24 = arith.constant 0 : index
    %get3A_25 = vector.load %arg1[%get3A_23, %get3A_24] : memref<1000x128xf32, #tpu.memory_space<vmem>>, vector<1000x128xf32>
    %get3A_26 = arith.constant 0 : index
    %get3A_27 = arith.constant 0 : index
    %get3A_28 = vector.load %arg8[%get3A_26, %get3A_27] : memref<128x128xf32, #tpu.memory_space<vmem>>, vector<128x128xf32>
    %dot_general3A_29 = arith.constant dense<0.000000e+00> : vector<1000x128xf32>
    %dot_general3A_30 = tpu.matmul %get3A_25, %get3A_28, %dot_general3A_29 {dimension_numbers = #tpu.dot_dimension_numbers<[1], [1], [0], [0], [0, 0, 1, 0], [], []>, precision = #tpu.contract_precision<fp32>, transpose_lhs_hint = false} : vector<1000x128xf32>, vector<128x128xf32>, vector<1000x128xf32> -> vector<1000x128xf32>
    %add3A_31 = arith.addf %add3A_22, %dot_general3A_30 : vector<1000x128xf32>
    %max3A_32 = arith.constant 0.000000e+00 : f32
    %max3A_33 = vector.broadcast %max3A_32 : f32 to vector<1000x128xf32>
    %max3A_34 = arith.maximumf %add3A_31, %max3A_33 : vector<1000x128xf32>
    %swap3A = arith.constant 0 : index
    %swap3A_35 = arith.constant 0 : index
    %swap3A_36 = vector.load %arg9[%swap3A, %swap3A_35] : memref<1000x128xf32, #tpu.memory_space<vmem>>, vector<1000x128xf32>
    tpu.vector_store %arg9[%swap3A, %swap3A_35], %max3A_34 {strides = array<i32>} : memref<1000x128xf32, #tpu.memory_space<vmem>>, vector<1000x128xf32>,
    %reduce_sum3A = arith.constant dense<0.000000e+00> : vector<128xf32>
    %reduce_sum3A_37 = vector.multi_reduction <add>, %max3A_34, %reduce_sum3A [0] : vector<1000x128xf32> to vector<128xf32>
    %broadcast_in_dim3A = vector.shape_cast %reduce_sum3A_37 : vector<128xf32> to vector<1x128xf32>
    %mul3A = arith.mulf %max3A_34, %max3A_34 : vector<1000x128xf32>
    %reduce_sum3A_38 = arith.constant dense<0.000000e+00> : vector<128xf32>
    %reduce_sum3A_39 = vector.multi_reduction <add>, %mul3A, %reduce_sum3A_38 [0] : vector<1000x128xf32> to vector<128xf32>
    %broadcast_in_dim3A_40 = vector.shape_cast %reduce_sum3A_39 : vector<128xf32> to vector<1x128xf32>
    %concatenate3A = tpu.concatenate %broadcast_in_dim3A, %broadcast_in_dim3A_40 in 0 : vector<1x128xf32>, vector<1x128xf32> -> vector<2x128xf32>
    %eq3A = arith.constant 0 : i32
    %eq3A_41 = arith.cmpi eq, %arg0, %eq3A : i32
    %convert_element_type3A = arith.extui %eq3A_41 : i1 to i32
    %cond3A = arith.constant 0 : i32
    %cond3A_42 = arith.cmpi ne, %convert_element_type3A, %cond3A : i32
    scf.if %cond3A_42 {
      %swap3A_47 = arith.constant 0 : index
      %swap3A_48 = arith.constant 0 : index
      %swap3A_49 = vector.load %arg10[%swap3A_47, %swap3A_48] : memref<2x128xf32, #tpu.memory_space<vmem>>, vector<2x128xf32>
      tpu.vector_store %arg10[%swap3A_47, %swap3A_48], %concatenate3A {strides = array<i32>} : memref<2x128xf32, #tpu.memory_space<vmem>>, vector<2x128xf32>,
    } else {
    }
    %gt3A = arith.constant 0 : i32
    %gt3A_43 = arith.cmpi sgt, %arg0, %gt3A : i32
    %convert_element_type3A_44 = arith.extui %gt3A_43 : i1 to i32
    %cond3A_45 = arith.constant 0 : i32
    %cond3A_46 = arith.cmpi ne, %convert_element_type3A_44, %cond3A_45 : i32
    scf.if %cond3A_46 {
      %get3A_47 = arith.constant 0 : index
      %get3A_48 = arith.constant 0 : index
      %get3A_49 = vector.load %arg10[%get3A_47, %get3A_48] : memref<2x128xf32, #tpu.memory_space<vmem>>, vector<2x128xf32>
      %add3A_50 = arith.addf %get3A_49, %concatenate3A : vector<2x128xf32>
      %swap3A_51 = arith.constant 0 : index
      %swap3A_52 = arith.constant 0 : index
      %swap3A_53 = vector.load %arg10[%swap3A_51, %swap3A_52] : memref<2x128xf32, #tpu.memory_space<vmem>>, vector<2x128xf32>
      tpu.vector_store %arg10[%swap3A_51, %swap3A_52], %add3A_50 {strides = array<i32>} : memref<2x128xf32, #tpu.memory_space<vmem>>, vector<2x128xf32>,
    } else {
    }
    return
  }
  func.func @transform_0(%arg0: i32) -> (i32, i32) {
    %c0_i32 = arith.constant 0 : i32
    %c0_i32_0 = arith.constant 0 : i32
    return %arg0, %c0_i32 : i32, i32
  }
  func.func @transform_1(%arg0: i32) -> (i32, i32) {
    %c0_i32 = arith.constant 0 : i32
    %c0_i32_0 = arith.constant 0 : i32
    return %arg0, %c0_i32 : i32, i32
  }
  func.func @transform_2(%arg0: i32) -> (i32, i32) {
    %c0_i32 = arith.constant 0 : i32
    %c0_i32_0 = arith.constant 0 : i32
    return %arg0, %c0_i32 : i32, i32
  }
  func.func @transform_3(%arg0: i32) -> (i32, i32) {
    %c0_i32 = arith.constant 0 : i32
    %c0_i32_0 = arith.constant 0 : i32
    return %arg0, %c0_i32 : i32, i32
  }
  func.func @transform_4(%arg0: i32) -> (i32, i32) {
    %c0_i32 = arith.constant 0 : i32
    %c0_i32_0 = arith.constant 0 : i32
    return %arg0, %c0_i32 : i32, i32
  }
  func.func @transform_5(%arg0: i32) -> (i32, i32) {
    %c0_i32 = arith.constant 0 : i32
    %c0_i32_0 = arith.constant 0 : i32
    %c0_i32_1 = arith.constant 0 : i32
    return %c0_i32, %c0_i32_0 : i32, i32
  }
  func.func @transform_6(%arg0: i32) -> (i32, i32) {
    %c0_i32 = arith.constant 0 : i32
    %c0_i32_0 = arith.constant 0 : i32
    %c0_i32_1 = arith.constant 0 : i32
    return %c0_i32, %c0_i32_0 : i32, i32
  }
  func.func @transform_7(%arg0: i32) -> (i32, i32) {
    %c0_i32 = arith.constant 0 : i32
    %c0_i32_0 = arith.constant 0 : i32
    %c0_i32_1 = arith.constant 0 : i32
    return %c0_i32, %c0_i32_0 : i32, i32
  }
  func.func @transform_8(%arg0: i32) -> (i32, i32) {
    %c0_i32 = arith.constant 0 : i32
    %c0_i32_0 = arith.constant 0 : i32
    return %arg0, %c0_i32 : i32, i32
  }
  func.func @transform_9(%arg0: i32) -> (i32, i32) {
    %c0_i32 = arith.constant 0 : i32
    %c0_i32_0 = arith.constant 0 : i32
    %c0_i32_1 = arith.constant 0 : i32
    return %c0_i32, %c0_i32_0 : i32, i32
  }
}

module attributes {stable_mosaic.version = 14 : i64} {
  func.func @body(%arg0: i32, %arg1: memref<1000x128xf32, #tpu.memory_space<vmem>>, %arg2: memref<1000x128xf32, #tpu.memory_space<vmem>>, %arg3: memref<1000x128xf32, #tpu.memory_space<vmem>>, %arg4: memref<1000x128xf32, #tpu.memory_space<vmem>>, %arg5: memref<1000x128xf32, #tpu.memory_space<vmem>>, %arg6: memref<128x128xf32, #tpu.memory_space<vmem>>, %arg7: memref<1x128xf32, #tpu.memory_space<vmem>>, %arg8: memref<128x128xf32, #tpu.memory_space<vmem>>, %arg9: memref<1x128xf32, #tpu.memory_space<vmem>>, %arg10: memref<1x128xf32, #tpu.memory_space<vmem>>, %arg11: memref<1000x128xf32, #tpu.memory_space<vmem>>) attributes {dimension_semantics = [#tpu.dimension_semantics<arbitrary>], iteration_bounds = array<i64: 10>, scalar_prefetch = 0 : i64, scratch_operands = 0 : i64, tpu.core_type = #tpu.core_type<tc>, window_params = [{transform_indices = @transform_0, window_bounds = array<i64: 1000, 128>}, {transform_indices = @transform_1, window_bounds = array<i64: 1000, 128>}, {transform_indices = @transform_2, window_bounds = array<i64: 1000, 128>}, {transform_indices = @transform_3, window_bounds = array<i64: 1000, 128>}, {transform_indices = @transform_4, window_bounds = array<i64: 1000, 128>}, {pipeline_mode = #tpu.pipeline_mode<synchronous>, transform_indices = @transform_5, window_bounds = array<i64: 128, 128>}, {pipeline_mode = #tpu.pipeline_mode<synchronous>, transform_indices = @transform_6, window_bounds = array<i64: 1, 128>}, {pipeline_mode = #tpu.pipeline_mode<synchronous>, transform_indices = @transform_7, window_bounds = array<i64: 128, 128>}, {pipeline_mode = #tpu.pipeline_mode<synchronous>, transform_indices = @transform_8, window_bounds = array<i64: 1, 128>}, {pipeline_mode = #tpu.pipeline_mode<synchronous>, transform_indices = @transform_9, window_bounds = array<i64: 1, 128>}, {transform_indices = @transform_10, window_bounds = array<i64: 1000, 128>}]} {
    %get3A = arith.constant 0 : index
    %get3A_0 = arith.constant 0 : index
    %get3A_1 = vector.load %arg2[%get3A, %get3A_0] : memref<1000x128xf32, #tpu.memory_space<vmem>>, vector<1000x128xf32>
    %get3A_2 = arith.constant 0 : index
    %get3A_3 = arith.constant 0 : index
    %get3A_4 = vector.load %arg3[%get3A_2, %get3A_3] : memref<1000x128xf32, #tpu.memory_space<vmem>>, vector<1000x128xf32>
    %add3A = arith.addf %get3A_1, %get3A_4 : vector<1000x128xf32>
    %get3A_5 = arith.constant 0 : index
    %get3A_6 = arith.constant 0 : index
    %get3A_7 = vector.load %arg4[%get3A_5, %get3A_6] : memref<1000x128xf32, #tpu.memory_space<vmem>>, vector<1000x128xf32>
    %get3A_8 = arith.constant 0 : index
    %get3A_9 = arith.constant 0 : index
    %get3A_10 = vector.load %arg5[%get3A_8, %get3A_9] : memref<1000x128xf32, #tpu.memory_space<vmem>>, vector<1000x128xf32>
    %add3A_11 = arith.addf %get3A_7, %get3A_10 : vector<1000x128xf32>
    %max3A = arith.constant 1.000000e+00 : f32
    %max3A_12 = vector.broadcast %max3A : f32 to vector<1000x128xf32>
    %max3A_13 = arith.maximumf %add3A_11, %max3A_12 : vector<1000x128xf32>
    %div3A = arith.divf %add3A, %max3A_13 : vector<1000x128xf32>
    %get3A_14 = arith.constant 0 : index
    %get3A_15 = arith.constant 0 : index
    %get3A_16 = vector.load %arg9[%get3A_14, %get3A_15] : memref<1x128xf32, #tpu.memory_space<vmem>>, vector<1x128xf32>
    %mul3A = vector.broadcast %get3A_16 : vector<1x128xf32> to vector<1000x128xf32>
    %mul3A_17 = arith.mulf %div3A, %mul3A : vector<1000x128xf32>
    %get3A_18 = arith.constant 0 : index
    %get3A_19 = arith.constant 0 : index
    %get3A_20 = vector.load %arg10[%get3A_18, %get3A_19] : memref<1x128xf32, #tpu.memory_space<vmem>>, vector<1x128xf32>
    %add3A_21 = vector.broadcast %get3A_20 : vector<1x128xf32> to vector<1000x128xf32>
    %add3A_22 = arith.addf %mul3A_17, %add3A_21 : vector<1000x128xf32>
    %get3A_23 = arith.constant 0 : index
    %get3A_24 = arith.constant 0 : index
    %get3A_25 = vector.load %arg1[%get3A_23, %get3A_24] : memref<1000x128xf32, #tpu.memory_space<vmem>>, vector<1000x128xf32>
    %get3A_26 = arith.constant 0 : index
    %get3A_27 = arith.constant 0 : index
    %get3A_28 = vector.load %arg9[%get3A_26, %get3A_27] : memref<1x128xf32, #tpu.memory_space<vmem>>, vector<1x128xf32>
    %mul3A_29 = vector.broadcast %get3A_28 : vector<1x128xf32> to vector<1000x128xf32>
    %mul3A_30 = arith.mulf %get3A_25, %mul3A_29 : vector<1000x128xf32>
    %get3A_31 = arith.constant 0 : index
    %get3A_32 = arith.constant 0 : index
    %get3A_33 = vector.load %arg10[%get3A_31, %get3A_32] : memref<1x128xf32, #tpu.memory_space<vmem>>, vector<1x128xf32>
    %add3A_34 = vector.broadcast %get3A_33 : vector<1x128xf32> to vector<1000x128xf32>
    %add3A_35 = arith.addf %mul3A_30, %add3A_34 : vector<1000x128xf32>
    %get3A_36 = arith.constant 0 : index
    %get3A_37 = arith.constant 0 : index
    %get3A_38 = vector.load %arg6[%get3A_36, %get3A_37] : memref<128x128xf32, #tpu.memory_space<vmem>>, vector<128x128xf32>
    %dot_general3A = arith.constant dense<0.000000e+00> : vector<1000x128xf32>
    %dot_general3A_39 = tpu.matmul %add3A_22, %get3A_38, %dot_general3A {dimension_numbers = #tpu.dot_dimension_numbers<[1], [1], [0], [0], [0, 0, 1, 0], [], []>, precision = #tpu.contract_precision<fp32>, transpose_lhs_hint = false} : vector<1000x128xf32>, vector<128x128xf32>, vector<1000x128xf32> -> vector<1000x128xf32>
    %get3A_40 = arith.constant 0 : index
    %get3A_41 = arith.constant 0 : index
    %get3A_42 = vector.load %arg7[%get3A_40, %get3A_41] : memref<1x128xf32, #tpu.memory_space<vmem>>, vector<1x128xf32>
    %add3A_43 = vector.broadcast %get3A_42 : vector<1x128xf32> to vector<1000x128xf32>
    %add3A_44 = arith.addf %dot_general3A_39, %add3A_43 : vector<1000x128xf32>
    %get3A_45 = arith.constant 0 : index
    %get3A_46 = arith.constant 0 : index
    %get3A_47 = vector.load %arg8[%get3A_45, %get3A_46] : memref<128x128xf32, #tpu.memory_space<vmem>>, vector<128x128xf32>
    %dot_general3A_48 = arith.constant dense<0.000000e+00> : vector<1000x128xf32>
    %dot_general3A_49 = tpu.matmul %add3A_35, %get3A_47, %dot_general3A_48 {dimension_numbers = #tpu.dot_dimension_numbers<[1], [1], [0], [0], [0, 0, 1, 0], [], []>, precision = #tpu.contract_precision<fp32>, transpose_lhs_hint = false} : vector<1000x128xf32>, vector<128x128xf32>, vector<1000x128xf32> -> vector<1000x128xf32>
    %add3A_50 = arith.addf %add3A_44, %dot_general3A_49 : vector<1000x128xf32>
    %max3A_51 = arith.constant 0.000000e+00 : f32
    %max3A_52 = vector.broadcast %max3A_51 : f32 to vector<1000x128xf32>
    %max3A_53 = arith.maximumf %add3A_50, %max3A_52 : vector<1000x128xf32>
    %swap3A = arith.constant 0 : index
    %swap3A_54 = arith.constant 0 : index
    %swap3A_55 = vector.load %arg11[%swap3A, %swap3A_54] : memref<1000x128xf32, #tpu.memory_space<vmem>>, vector<1000x128xf32>
    tpu.vector_store %arg11[%swap3A, %swap3A_54], %max3A_53 {strides = array<i32>} : memref<1000x128xf32, #tpu.memory_space<vmem>>, vector<1000x128xf32>,
    return
  }
  func.func @transform_0(%arg0: i32) -> (i32, i32) {
    %c0_i32 = arith.constant 0 : i32
    %c0_i32_0 = arith.constant 0 : i32
    return %arg0, %c0_i32 : i32, i32
  }
  func.func @transform_1(%arg0: i32) -> (i32, i32) {
    %c0_i32 = arith.constant 0 : i32
    %c0_i32_0 = arith.constant 0 : i32
    return %arg0, %c0_i32 : i32, i32
  }
  func.func @transform_2(%arg0: i32) -> (i32, i32) {
    %c0_i32 = arith.constant 0 : i32
    %c0_i32_0 = arith.constant 0 : i32
    return %arg0, %c0_i32 : i32, i32
  }
  func.func @transform_3(%arg0: i32) -> (i32, i32) {
    %c0_i32 = arith.constant 0 : i32
    %c0_i32_0 = arith.constant 0 : i32
    return %arg0, %c0_i32 : i32, i32
  }
  func.func @transform_4(%arg0: i32) -> (i32, i32) {
    %c0_i32 = arith.constant 0 : i32
    %c0_i32_0 = arith.constant 0 : i32
    return %arg0, %c0_i32 : i32, i32
  }
  func.func @transform_5(%arg0: i32) -> (i32, i32) {
    %c0_i32 = arith.constant 0 : i32
    %c0_i32_0 = arith.constant 0 : i32
    %c0_i32_1 = arith.constant 0 : i32
    return %c0_i32, %c0_i32_0 : i32, i32
  }
  func.func @transform_6(%arg0: i32) -> (i32, i32) {
    %c0_i32 = arith.constant 0 : i32
    %c0_i32_0 = arith.constant 0 : i32
    %c0_i32_1 = arith.constant 0 : i32
    return %c0_i32, %c0_i32_0 : i32, i32
  }
  func.func @transform_7(%arg0: i32) -> (i32, i32) {
    %c0_i32 = arith.constant 0 : i32
    %c0_i32_0 = arith.constant 0 : i32
    %c0_i32_1 = arith.constant 0 : i32
    return %c0_i32, %c0_i32_0 : i32, i32
  }
  func.func @transform_8(%arg0: i32) -> (i32, i32) {
    %c0_i32 = arith.constant 0 : i32
    %c0_i32_0 = arith.constant 0 : i32
    %c0_i32_1 = arith.constant 0 : i32
    return %c0_i32, %c0_i32_0 : i32, i32
  }
  func.func @transform_9(%arg0: i32) -> (i32, i32) {
    %c0_i32 = arith.constant 0 : i32
    %c0_i32_0 = arith.constant 0 : i32
    %c0_i32_1 = arith.constant 0 : i32
    return %c0_i32, %c0_i32_0 : i32, i32
  }
  func.func @transform_10(%arg0: i32) -> (i32, i32) {
    %c0_i32 = arith.constant 0 : i32
    %c0_i32_0 = arith.constant 0 : i32
    return %arg0, %c0_i32 : i32, i32
  }
}

</mosaic_0001>

<sc_bundles>
// kernel: kernel.10.cloned.1.call-start
scs
__scs_entry_jumppad:
0x0: {  	(pc) =	sbr.rel $0x88, $3  }
0x1: {  	(tag) =	ssettag $0x0;
	lr =	simm.s32 $0x1  }
0x2: {  	[smem:$0x3F97] =	sst lr;
	_ =	strace $0xD0000000  }
0x3: {  	_ = 	snop  }
0x4: {  	_ = 	snop  }
0x5: {  	_ = 	snop  }
0x6: {  	_ = 	snop  }
0x7: {  	_ = 	snop  }
__scs_overlays_trampoline_lowered:
0x8: {  	[smem:$0x3FA6] =	sst s0  }
0x9: {  	[smem:$0x3FA7] =	sst s1  }
0xa: {  	[smem:$0x3FA8] =	sst s2  }
0xb: {  	[smem:$0x3FA9] =	sst s3  }
0xc: {  	[smem:$0x3FAA] =	sst s4  }
0xd: {  	[smem:$0x3FAB] =	sst s5  }
0xe: {  	[smem:$0x3FAC] =	sst s6  }
0xf: {  	[smem:$0x3FAD] =	sst s7  }
0x10: {  	[smem:$0x3FAE] =	sst s8  }
0x11: {  	[smem:$0x3FAF] =	sst s9;
	s0 =	simm.s32 @!p0 $0x0  }
0x12: {  	s1 =	sld [smem:$0x3F95];
	s0 =	simm.s32 @p0 $0x1  }
0x13: {  	[smem:$0x3FB0] =	sst s0;
	s0 =	simm.s32 @!p1 $0x0  }
0x14: {  	s2 =	sld [smem:$0x3F94];
	s0 =	simm.s32 @p1 $0x1  }
0x15: {  	[smem:$0x3FB1] =	sst s0;
	s0 =	simm.s32 @!p2 $0x0  }
0x16: {  	s3 =	sld [smem:$0x3FDB];
	s0 =	simm.s32 @p2 $0x1  }
0x17: {  	s4 =	simm.s32 $0x1BF5;
	[smem:$0x3FB3] =	sst s0  }
0x18: {  	s0 =	sld [smem:$0x3F96];
	_ =	swait.ge [sflag:s4], $0x0  }
0x19: {  	s7 =	sld [smem:$0x3F97]  }
0x1a: {  	s8 =	sadd.s32 $0xFFFFE003, lr  }
0x1b: {  	s9 =	sadd.s32 $0xFFFFFEF7, lr;
	s5 =	simm.s32 $0xFFFFFFFF;
	p2 =	slt.u32 s8, $0xFFFFF086  }
0x1c: {  	p1 =	slt.u32 s9, $0xF7A;
	s5 =	simm.s32 @!p2 $0x0  }
0x1d: {  	s5 =	simm.s32 @p1 $0x1;
	p0 =	seq.s32 s7, s2  }
0x1e: {  	s7 =	smul.u32 @!p0 $0xF7A, s2;
	p2 =	seq.s32 @!p0 s5, $0x0  }
0x1f: {  	s9 =	smul.u32 $0xF7A, s1;
	s8 =	simm.s32 @!p0 $0x1BF5;
	p2 =	por !p2, p0  }
0x20: {  	[sflag:s8] =	ssyncset.s32 @!p0 $0xFFFFF086;
	s6 =	sadd.s32 @!p0 s3, s7;
	s7 =	simm.s32 @!p0 $0x108  }
0x21: {  	s3 =	sadd.s32 s3, s9;
	s6 =	sadd.s32 @!p0 $0x88, s6;
	s7 =	simm.s32 @p2 $0x1082  }
0x22: {  	[simem:s7], [sflag:s8] =	dma.local @!p0 [hbm:s6], $0xF7A  }
0x23: {  	s9 =	sor.u32 $0xD0000000, s2;
	s6 =	simm.s32 $0x108;
	_ =	swait.ge @!p0 [sflag:s8], $0x0  }
0x24: {  	s3 =	sadd.s32 $0x88, s3;
	s6 =	simm.s32 @!p1 $0x1082;
	[sflag:s4] =	ssyncset.s32 $0xFFFFF086  }
0x25: {  	[simem:s6], [sflag:s4] =	dma.local [hbm:s3], $0xF7A  }
0x26: {  	[smem:$0x3F97] =	sst s1;
	(tag) =	ssettag s2;
	_ =	strace s9  }
0x27: {  	s1 =	sld [smem:$0x3FA7]  }
0x28: {  	s2 =	sld [smem:$0x3FA8]  }
0x29: {  	s4 =	sld [smem:$0x3FAA]  }
0x2a: {  	p0 =	seq.s32 s5, $0x0;
	s5 =	sld [smem:$0x3FAB]  }
0x2b: {  	s6 =	sld [smem:$0x3FAC]  }
0x2c: {  	s7 =	sld [smem:$0x3FAD]  }
0x2d: {  	s3 =	simm.s32 $0x108;
	s8 =	sld [smem:$0x3FAE]  }
0x2e: {  	s3 =	simm.s32 @!p0 $0x1082;
	s9 =	sld [smem:$0x3FAF]  }
0x2f: {  	lr =	sadd.s32 s0, s3;
	s0 =	sld [smem:$0x3FA6]  }
0x30: {  	s3 =	sld [smem:$0x3FA9]  }
0x31: {  	[smem:$0x3FB2] =	sst s10  }
0x32: {  	s10 =	sld [smem:$0x3FB0];
	_ =	sdelay $0x3  }
0x33: {  	p0 =	seq.s32 s10, $0x1;
	s10 =	sld [smem:$0x3FB2];
	_ =	sdelay $0x3  }
0x34: {  	[smem:$0x3FB2] =	sst s10  }
0x35: {  	s10 =	sld [smem:$0x3FB1];
	_ =	sdelay $0x3  }
0x36: {  	p1 =	seq.s32 s10, $0x1;
	s10 =	sld [smem:$0x3FB2];
	_ =	sdelay $0x3  }
0x37: {  	[smem:$0x3FB2] =	sst s10  }
0x38: {  	s10 =	sld [smem:$0x3FB3]  }
0x39: {  	_ = 	snop;
	(pc) =	sbr.ind lr, $3  }
0x3a: {  	_ = 	snop  }
0x3b: {  	_ = 	snop  }
0x3c: {  	p2 =	seq.s32 s10, $0x1;
	s10 =	sld [smem:$0x3FB2]  }
0x3d: {  	_ =	shalt  }
0x3e: {  	_ =	shalt  }
0x3f: {  	_ =	shalt  }
0x40: {  	_ =	shalt  }
0x41: {  	_ =	shalt  }
0x42: {  	_ =	shalt  }
0x43: {  	_ =	shalt  }
0x44: {  	_ =	shalt  }
0x45: {  	_ =	shalt  }
0x46: {  	_ =	shalt  }
0x47: {  	_ =	shalt  }
0x48: {  	_ =	shalt  }
0x49: {  	_ =	shalt  }
0x4a: {  	_ =	shalt  }
0x4b: {  	_ =	shalt  }
0x4c: {  	_ =	shalt  }
0x4d: {  	_ =	shalt  }
0x4e: {  	_ =	shalt  }
0x4f: {  	_ =	shalt  }
0x50: {  	_ =	shalt  }
0x51: {  	_ =	shalt  }
0x52: {  	_ =	shalt  }
0x53: {  	_ =	shalt  }
0x54: {  	_ =	shalt  }
0x55: {  	_ =	shalt  }
0x56: {  	_ =	shalt  }
0x57: {  	_ =	shalt  }
0x58: {  	_ =	shalt  }
0x59: {  	_ =	shalt  }
0x5a: {  	_ =	shalt  }
0x5b: {  	_ =	shalt  }
0x5c: {  	_ =	shalt  }
0x5d: {  	_ =	shalt  }
0x5e: {  	_ =	shalt  }
0x5f: {  	_ =	shalt  }
0x60: {  	_ =	shalt  }
0x61: {  	_ =	shalt  }
0x62: {  	_ =	shalt  }
0x63: {  	_ =	shalt  }
0x64: {  	_ =	shalt  }
0x65: {  	_ =	shalt  }
0x66: {  	_ =	shalt  }
0x67: {  	_ =	shalt  }
0x68: {  	_ =	shalt  }
0x69: {  	_ =	shalt  }
0x6a: {  	_ =	shalt  }
0x6b: {  	_ =	shalt  }
0x6c: {  	_ =	shalt  }
0x6d: {  	_ =	shalt  }
0x6e: {  	_ =	shalt  }
0x6f: {  	_ =	shalt  }
0x70: {  	_ =	shalt  }
0x71: {  	_ =	shalt  }
0x72: {  	_ =	shalt  }
0x73: {  	_ =	shalt  }
0x74: {  	_ =	shalt  }
0x75: {  	_ =	shalt  }
0x76: {  	_ =	shalt  }
0x77: {  	_ =	shalt  }
0x78: {  	_ =	shalt  }
0x79: {  	_ =	shalt  }
0x7a: {  	_ =	shalt  }
0x7b: {  	_ =	shalt  }
0x7c: {  	_ =	shalt  }
0x7d: {  	_ =	shalt  }
0x7e: {  	_ =	shalt  }
0x7f: {  	_ =	shalt  }
0x80: {  	_ =	shalt  }
0x81: {  	_ =	shalt  }
0x82: {  	_ =	shalt  }
0x83: {  	_ =	shalt  }
0x84: {  	_ =	shalt  }
0x85: {  	_ =	shalt  }
0x86: {  	_ =	shalt  }
0x87: {  	_ =	shalt  }
.Lfunc_end0:
.L_simem_size_0:
called_computation.1_lowered:
.L_overlay_start_0:
0x88: {  	s2 =	sld [smem:$0x3FD9]  }
0x89: {  	s3 =	sld [smem:$0x3FFE];
	_ =	sdelay $0x1  }
0x8a: {  	s1 =	srdreg.scid  }
0x8b: {  	s0 =	sand.u32 $0x1, s1  }
0x8c: {  	s17 =	sshll.u32 s0, $0xA;
	s2 =	sadd.s32 s3, s2  }
0x8d: {  	s2 =	sadd.s32 s2, s17  }
0x8e: {  	[smem:$0x3FBE] =	sst s2  }
0x8f: {  	_ = 	snop  }
0x90: {  	s4 =	sld [smem:$0x3FC9]  }
0x91: {  	s18 =	sld [smem:$0x3FD0];
	(tm) =	ssettm $0x1  }
0x92: {  	s19 =	sld [smem:$0x3FFB];
	_ =	sdelay $0x3  }
0x93: {  	_ =	strace s19  }
0x94: {  	s2 =	sld [smem:$0x3FFC];
	_ =	sdelay $0x3  }
0x95: {  	_ =	strace s2  }
0x96: {  	s2 =	sld [smem:$0x3FFD];
	_ =	sdelay $0x3  }
0x97: {  	_ =	strace s2  }
0x98: {  	_ =	strace $0x8FFFFFFF  }
0x99: {  	s20 =	sld [smem:$0x3FDB];
	_ =	sdelay $0x1  }
0x9a: {  	s5 =	simm.s32 $_scs_section_size  }
0x9b: {  	s6 =	simm.s32 $_size__tile_overlayer_lowered;
	s7 =	simm.s32 $_tile_overlayer_lowered  }
0x9c: {  	s8 =	simm.s32 $0x1BFF;
	s21 =	sshll.u32 s7, $0x1;
	s5 =	sadd.s32 s5, s20  }
0x9d: {  	s22 =	simm.s32 $0x0;
	s6 =	sshll.u32 s6, $0x1;
	s7 =	sadd.s32 s21, s5  }
0x9e: {  	[timem:s22], [sflag:s8] =	dma.local [hbm:s7], s6  }
0x9f: {  	_ =	swait.ge [sflag:s8], s6  }
0xa0: {  	s6 =	ssub.s32 $0x0, s6;
	[sflag:s8] =	ssyncset.done $0x0  }
0xa1: {  	[sflag:s8] =	ssyncadd.s32 s6;
	_ =	sdelay $0x1  }
0xa2: {  	s23 =	simm.s32 $0x1B8B  }
0xa3: {  	_ =	swait.ge [sflag:s23], $0x1  }
0xa4: {  	[sflag:s23] =	ssyncset.done $0x0  }
0xa5: {  	[sflag:s23] =	ssyncadd.s32 $0xFFFFFFFF  }
0xa6: {  	s6 =	sld [smem:$0x0]  }
0xa7: {  	s7 =	sand.u32 $0xFFFFFFFE, s1  }
0xa8: {  	p0 =	sne.s32 s1, s7  }
0xa9: {  	s7 =	sshll.u32 @p0 s7, $0xE  }
0xaa: {  	s7 =	sadd.s32 @p0 $0x11B8D, s7;
	s8 =	sshll.u32 @p0 s6, $0x11  }
0xab: {  	s7 =	sor.u32 @p0 s8, s7  }
0xac: {  	[sflag:s7] =	ssyncadd.remote.s32 @p0 $0x1;
	_ =	sdelay $0x1  }
0xad: {  	s7 =	simm.s32 @p0 $0x1B8D  }
0xae: {  	_ =	swait.eq @p0 [sflag:s7], $0x1  }
0xaf: {  	[sflag:s7] =	ssyncadd.s32 @p0 $0xFFFFFFFF  }
0xb0: {  	s8 =	sshll.u32 @!p0 s1, $0xE  }
0xb1: {  	s8 =	sor.u32 @!p0 $0x4000, s8;
	s7 =	simm.s32 @!p0 $0x1B8D  }
0xb2: {  	s6 =	sshll.u32 @!p0 s6, $0x11;
	s8 =	sadd.s32 @!p0 $0x11B8D, s8;
	_ =	swait.eq @!p0 [sflag:s7], $0x1  }
0xb3: {  	s6 =	sor.u32 @!p0 s6, s8;
	[sflag:s7] =	ssyncadd.s32 @!p0 $0xFFFFFFFF  }
0xb4: {  	s25 =	simm.s32 $0x1B8E;
	s24 =	sld [smem:$0x3FFE];
	[sflag:s6] =	ssyncadd.remote.s32 @!p0 $0x1  }
0xb5: {  	s26 =	simm.s32 $execute0_lowered;
	[smem:$0x3FD2] =	sst s25  }
0xb6: {  	s7 =	sshll.u32 s26, $0x1;
	_ =	strace $0x80000049;
	[dreg:$0x1] =	wrdreg $0xFFFFFFFF  }
0xb7: {  	s28 =	simm.s32 $_size_execute0_lowered;
	s5 =	sadd.s32 s5, s7;
	[dreg:$0x0] =	wrdreg $0x0  }
0xb8: {  	s7 =	sshll.u32 s28, $0x1;
	[dreg:$0x2] =	wrdreg s5  }
0xb9: {  	[dreg:$0x3] =	wrdreg s7  }
0xba: {  	[dreg:$0x4] =	wrdreg $0xC0  }
0xbb: {  	_ =	task [dreg:s22], $0x5FFFF  }
0xbc: {  	[dreg:$0x1] =	wrdreg $0xFFFFFFFF  }
0xbd: {  	[dreg:$0x0] =	wrdreg $0x60  }
0xbe: {  	[dreg:$0x2] =	wrdreg s4  }
0xbf: {  	[dreg:$0x3] =	wrdreg s24  }
0xc0: {  	[dreg:$0x4] =	wrdreg s18  }
0xc1: {  	[dreg:$0x5] =	wrdreg $0x52000  }
0xc2: {  	[dreg:$0x6] =	wrdreg $0xA  }
0xc3: {  	_ =	task.clear_ibuf [dreg:s22], $0x7FFFF;
	_ =	strace $0x90000049  }
0xc4: {  	s29 =	simm.s32 $0xA;
	_ =	strace $0x8000004B  }
0xc5: {  	_ =	swait.ge [sflag:s29], $0x1  }
0xc6: {  	[sflag:s29] =	ssyncadd.s32 $0xFFFFFFFF  }
0xc7: {  	_ =	strace $0x9000004B  }
0xc8: {  	_ =	sfence  }
0xc9: {  	s30 =	sld [smem:$0x0];
	_ =	sdelay $0x2  }
0xca: {  	s31 =	sshll.u32 s1, $0xD;
	s1 =	sshrl.u32 s1, $0x2  }
0xcb: {  	s4 =	sand.u32 $0x4000, s31;
	s1 =	sadd.s32 s1, s30  }
0xcc: {  	s0 =	sor.u32 s4, s0;
	s1 =	sshll.u32 s1, $0x11  }
0xcd: {  	s0 =	sor.u32 s1, s0  }
0xce: {  	s0 =	sadd.s32 $0x8F2B, s0  }
0xcf: {  	[sflag:s0] =	ssyncadd.remote.s32 $0x1  }
0xd0: {  	_ =	sfence.sel $0xFFFF  }
0xd1: {  	[dreg:$0x0] =	wrdreg $0xFFFFFFFF;
	(pc) =	sbr.abs _section_cstart, $3  }
0xd2: {  	[dreg:$0x1] =	wrdreg $0xFFFFFFFF  }
0xd3: {  	_ =	task.clear_ibuf [dreg:s22], $0x2FFFF;
	_ =	strace $0x9FFFFFFF  }
0xd4: {  	(tm) =	ssettm $0x7FFFFFFF  }
0xd5: {  	_ =	shalt  }
tec
execute0_lowered:
.L_overlay_start_1:
0x0: {  	(tag) =	ssettag $0x1  }
0x1: {  	s1 =	rddreg [dreg:$0x0]  }
0x2: {  	s0 =	rddreg [dreg:$0x1]  }
0x3: {  	s6 =	rddreg [dreg:$0x2]  }
0x4: {  	s2 =	rddreg [dreg:$0x3]  }
0x5: {  	s3 =	simm.s32 $0x0;
	s4 =	srdreg.scid;
	s9 =	stileid.u32  }
0x6: {  	s28 =	simm.s32 $0x1;
	s29 =	simm.s32 $0x50;
	s30 =	simm.s32 $0x200  }
0x7: {  	s31 =	simm.s32 $0x2;
	[smem:$0x7FF] =	sst s3;
	s7 =	sand.u32 $0x1, s4  }
0x8: {  	s4 =	sadd.s32 $0xD400, s0;
	s5 =	sadd.s32 $0x3600, s0;
	s11 =	smul.u32 $0x4E000, s9  }
0x9: {  	s0 =	sadd.s32 $0x65A00, s0;
	s14 =	sshll.u32 s9, $0x1;
	s12 =	smul.u32 $0x2700, s9  }
0xa: {  	s16 =	sshll.u32 s9, $0x6;
	s21 =	smul.u32 $0x4E20, s9;
	p0 =	sne.s32 s9, $0x0  }
0xb: {  	s9 =	simm.s32 $0x0;
	s8 =	ssub.s32 $0x2, s7;
	s18 =	smul.u32 $0x27100, s7  }
0xc: {  	_ =	strace $0x8000004A;
	s19 =	smul.u32 $0x138800, s7;
	s10 =	sshrl.u32 s8, $0x1  }
0xd: {  	s11 =	sshrl.u32 s11, $0x2;
	s17 =	sadd.s32 s6, s12;
	s6 =	sadd.s32 $0x27000, s6  }
0xe: {  	s10 =	ssub.s32 s8, s10;
	s8 =	sor.u32 s7, s14;
	[dreg:$0x6] =	wrdreg s17  }
0xf: {  	s15 =	sadd.s32 s11, s2;
	s14 =	sadd.s32 $0x138000, s2;
	[dreg:$0x8] =	wrdreg s6  }
0x10: {  	s7 =	smul.u32 $0x2710, s7;
	s11 =	sadd.s32 s12, s18;
	[dreg:$0x5] =	wrdreg s15  }
0x11: {  	s13 =	smul.u32 $0x2710, s8;
	[dreg:$0x7] =	wrdreg s14;
	s14 =	sshrl.u32 s19, $0x3  }
0x12: {  	s8 =	sor.u32 $0x1C05, s16;
	s17 =	smax.u32 s10, $0x1;
	s23 =	sadd.s32 s0, s14  }
0x13: {  	s6 =	sadd.s32 s7, s21;
	s0 =	sadd.s32 s0, s11;
	s7 =	simm.s32 $0x4  }
0x14: {  	s13 =	sshrl.u32 s13, $0x3;
	[dreg:$0xd] =	wrdreg s0;
	s24 =	sadd.s32 $0x27000, s23  }
0x15: {  	s25 =	sadd.s32 $0xF0, s6;
	s23 =	simm.s32 $0x5;
	s20 =	sadd.s32 s4, s13  }
0x16: {  	s15 =	sadd.s32 s5, s13;
	s22 =	sadd.s32 $0xA, s13;
	[dreg:$0xe] =	wrdreg s24  }
0x17: {  	s26 =	sadd.s32 $0x4D8, s13;
	s0 =	sshrl.u32 s25, $0x3;
	[dreg:$0x9] =	wrdreg s20  }
0x18: {  	s24 =	simm.s32 $0x100;
	s25 =	simm.s32 $0x80;
	[dreg:$0xa] =	wrdreg s15  }
0x19: {  	s16 =	sadd.s32 s4, s22;
	s15 =	sadd.s32 s5, s22;
	s18 =	sadd.s32 s4, s26  }
0x1a: {  	s19 =	sadd.s32 s5, s26;
	s20 =	sadd.s32 s0, s5;
	s21 =	sadd.s32 s0, s4  }
0x1b: {  	s22 =	sadd.s32 $0xA0, s6;
	s26 =	simm.s32 $0x180;
	[dreg:$0xb] =	wrdreg s16  }
0x1c: {  	s0 =	simm.s32 $0x2A00;
	s6 =	simm.s32 $0x3;
	[dreg:$0xc] =	wrdreg s15  }
.LBB2_1:
0x1d: {  	s10 =	rddreg [dreg:$0x5]  }
0x1e: {  	s11 =	rddreg [dreg:$0x6];
	s10 =	sshrl.u32 s10, $0x3  }
0x1f: {  	[spmem:s10], [sflag:s8] =	dma.local [hbm:s11], $0x2700  }
0x20: {  	_ =	swait.ge [sflag:s23], $0x2700  }
0x21: {  	[sflag:s23] =	ssyncset.done $0x0;
	s11 =	rddreg [dreg:$0x7]  }
0x22: {  	s12 =	rddreg [dreg:$0x8];
	[sflag:s23] =	ssyncadd.s32 $0xFFFFD900;
	s11 =	sshrl.u32 @!p0 s11, $0x3  }
0x23: {  	[spmem:s11], [sflag:s8] =	dma.local @!p0 [hbm:s12], $0x100  }
0x24: {  	s12 =	simm.s32 @!p0 $0x5  }
0x25: {  	_ =	swait.ge @!p0 [sflag:s12], $0x100  }
0x26: {  	[sflag:s12] =	ssyncset.done @!p0 $0x0  }
0x27: {  	s15 =	rddreg [dreg:$0x9];
	[sflag:s12] =	ssyncadd.s32 @!p0 $0xFFFFFF00  }
0x28: {  	[tilespmem:s3], [sflag:$0x1] =	stream.linear.gather [hbm4b:s15+s3], $0x50, $0x38;
	[tilespmem:$0x18A80] =	vst v63  }
0x29: {  	s16 =	rddreg [dreg:$0xa]  }
0x2a: {  	[tilespmem:s24], [sflag:$0x1] =	stream.linear.gather [hbm4b:s16+s3], $0x50, $0x38;
	[tilespmem:$0x18A80] =	vst v63  }
0x2b: {  	s13 =	rddreg [dreg:$0xb]  }
0x2c: {  	[tilespmem:s25], [sflag:$0x2] =	stream.linear.gather [hbm4b:s13+s3], $0x50, $0x38;
	[tilespmem:$0x18A80] =	vst v63  }
0x2d: {  	s14 =	rddreg [dreg:$0xc]  }
0x2e: {  	[tilespmem:s26], [sflag:$0x2] =	stream.linear.gather [hbm4b:s14+s3], $0x50, $0x38;
	[tilespmem:$0x18A80] =	vst v63  }
0x2f: {  	[bflag:$0x0] =	sbarrier.arrive $0xFFFF  }
0x30: {  	_ =	swait.ge [sflag:s28], $0x50  }
0x31: {  	[sflag:s28] =	ssyncset.done $0x0  }
0x32: {  	[sflag:s28] =	ssyncadd.s32 $0xFFFFFFB0  }
0x33: {  	_ =	swait.ge [sflag:s28], $0x50  }
0x34: {  	[sflag:s28] =	ssyncset.done $0x0  }
0x35: {  	[sflag:s28] =	ssyncadd.s32 $0xFFFFFFB0  }
0x36: {  	[tilespmem:s30], [sflag:$0x3] =	stream.indirect.gather [hbm4b:s1+s29], $0x80, s3, s29, $0xb8;
	[tilespmem:$0x18A80] =	vst v63  }
0x37: {  	_ =	swait.ge [sflag:s31], $0x50  }
0x38: {  	[sflag:s31] =	ssyncset.done $0x0  }
0x39: {  	[sflag:s31] =	ssyncadd.s32 $0xFFFFFFB0  }
0x3a: {  	_ =	swait.ge [sflag:s31], $0x50  }
0x3b: {  	[sflag:s31] =	ssyncset.done $0x0  }
0x3c: {  	[sflag:s31] =	ssyncadd.s32 $0xFFFFFFB0  }
0x3d: {  	[tilespmem:s0], [sflag:$0x4] =	stream.indirect.gather [hbm4b:s1+s29], $0x80, s25, s29, $0xb8;
	[tilespmem:$0x18A80] =	vst v63  }
0x3e: {  	_ =	swait.ge [sflag:s6], $0x2800  }
0x3f: {  	[sflag:s6] =	ssyncset.done $0x0  }
0x40: {  	[sflag:s6] =	ssyncadd.s32 $0xFFFFD800  }
0x41: {  	[spmem:s2] =	stream.indirect.scatter.add.f32 [tilespmem:s30], [sflag:$0x5], $0x80, s24, s29, $0xb8;
	[tilespmem:$0x18A80] =	vst v63  }
0x42: {  	_ =	swait.ge [sflag:s23], $0x2800  }
0x43: {  	s15 =	sshrl.u32 s22, $0x3;
	[sflag:s23] =	ssyncset.done $0x0  }
0x44: {  	s13 =	sadd.s32 s4, s15;
	[sflag:s23] =	ssyncadd.s32 $0xFFFFD800  }
0x45: {  	[tilespmem:s3], [sflag:$0x1] =	stream.linear.gather [hbm4b:s13+s3], $0x50, $0x38;
	[tilespmem:$0x18A80] =	vst v63  }
0x46: {  	s12 =	sadd.s32 s5, s15  }
0x47: {  	[tilespmem:s24], [sflag:$0x1] =	stream.linear.gather [hbm4b:s12+s3], $0x50, $0x38;
	[tilespmem:$0x18A80] =	vst v63  }
0x48: {  	_ =	swait.ge [sflag:s7], $0x2800  }
0x49: {  	[sflag:s7] =	ssyncset.done $0x0  }
0x4a: {  	[sflag:s7] =	ssyncadd.s32 $0xFFFFD800  }
0x4b: {  	_ =	swait.ge [sflag:s28], $0x50  }
0x4c: {  	[sflag:s28] =	ssyncset.done $0x0  }
0x4d: {  	[sflag:s28] =	ssyncadd.s32 $0xFFFFFFB0  }
0x4e: {  	_ =	swait.ge [sflag:s28], $0x50  }
0x4f: {  	[sflag:s28] =	ssyncset.done $0x0  }
0x50: {  	[sflag:s28] =	ssyncadd.s32 $0xFFFFFFB0  }
0x51: {  	[tilespmem:s30], [sflag:$0x3] =	stream.indirect.gather [hbm4b:s1+s29], $0x80, s3, s29, $0xb8;
	[tilespmem:$0x18A80] =	vst v63  }
0x52: {  	_ = 	snop  }
0x53: {  	[spmem:s2] =	stream.indirect.scatter.add.f32 [tilespmem:s0], [sflag:$0x5], $0x80, s26, s29, $0xb8;
	[tilespmem:$0x18A80] =	vst v63  }
0x54: {  	_ =	swait.ge [sflag:s23], $0x2800  }
0x55: {  	s16 =	sadd.s32 $0x0, s21;
	s14 =	sadd.s32 $0x0, s20;
	[sflag:s23] =	ssyncset.done $0x0  }
0x56: {  	s13 =	sadd.s32 $0xA0, s22;
	s12 =	simm.s32 $0x14;
	[sflag:s23] =	ssyncadd.s32 $0xFFFFD800  }
0x57: {  	[tilespmem:s25], [sflag:$0x2] =	stream.linear.gather [hbm4b:s16+s3], $0x50, $0x38;
	[tilespmem:$0x18A80] =	vst v63  }
.LBB2_2:
0x58: {  	[tilespmem:s26], [sflag:$0x2] =	stream.linear.gather [hbm4b:s14+s3], $0x50, $0x38;
	[tilespmem:$0x18A80] =	vst v63  }
0x59: {  	s14 =	smov.u32 s12  }
0x5a: {  	p1 =	sne.s32 s12, $0x4B0;
	s12 =	sadd.s32 $0x14, s12;
	_ =	swait.ge [sflag:s31], $0x50  }
0x5b: {  	[sflag:s31] =	ssyncset.done $0x0  }
0x5c: {  	[sflag:s31] =	ssyncadd.s32 $0xFFFFFFB0  }
0x5d: {  	_ =	swait.ge [sflag:s31], $0x50  }
0x5e: {  	[sflag:s31] =	ssyncset.done $0x0  }
0x5f: {  	[sflag:s31] =	ssyncadd.s32 $0xFFFFFFB0  }
0x60: {  	[tilespmem:s0], [sflag:$0x4] =	stream.indirect.gather [hbm4b:s1+s29], $0x80, s25, s29, $0xb8;
	[tilespmem:$0x18A80] =	vst v63  }
0x61: {  	_ =	swait.ge [sflag:s6], $0x2800  }
0x62: {  	[sflag:s6] =	ssyncset.done $0x0  }
0x63: {  	[sflag:s6] =	ssyncadd.s32 $0xFFFFD800  }
0x64: {  	[spmem:s2] =	stream.indirect.scatter.add.f32 [tilespmem:s30], [sflag:$0x5], $0x80, s24, s29, $0xb8;
	[tilespmem:$0x18A80] =	vst v63  }
0x65: {  	_ =	swait.ge [sflag:s23], $0x2800  }
0x66: {  	s15 =	sshrl.u32 s13, $0x3;
	[sflag:s23] =	ssyncset.done $0x0  }
0x67: {  	s16 =	sadd.s32 s4, s15;
	[sflag:s23] =	ssyncadd.s32 $0xFFFFD800  }
0x68: {  	[tilespmem:s3], [sflag:$0x1] =	stream.linear.gather [hbm4b:s16+s3], $0x50, $0x38;
	[tilespmem:$0x18A80] =	vst v63  }
0x69: {  	s15 =	sadd.s32 s5, s15  }
0x6a: {  	[tilespmem:s24], [sflag:$0x1] =	stream.linear.gather [hbm4b:s15+s3], $0x50, $0x38;
	[tilespmem:$0x18A80] =	vst v63  }
0x6b: {  	_ =	swait.ge [sflag:s7], $0x2800  }
0x6c: {  	[sflag:s7] =	ssyncset.done $0x0  }
0x6d: {  	[sflag:s7] =	ssyncadd.s32 $0xFFFFD800  }
0x6e: {  	_ =	swait.ge [sflag:s28], $0x50  }
0x6f: {  	[sflag:s28] =	ssyncset.done $0x0  }
0x70: {  	[sflag:s28] =	ssyncadd.s32 $0xFFFFFFB0  }
0x71: {  	_ =	swait.ge [sflag:s28], $0x50  }
0x72: {  	[sflag:s28] =	ssyncset.done $0x0  }
0x73: {  	[sflag:s28] =	ssyncadd.s32 $0xFFFFFFB0  }
0x74: {  	[tilespmem:s30], [sflag:$0x3] =	stream.indirect.gather [hbm4b:s1+s29], $0x80, s3, s29, $0xb8;
	[tilespmem:$0x18A80] =	vst v63  }
0x75: {  	_ = 	snop  }
0x76: {  	[spmem:s2] =	stream.indirect.scatter.add.f32 [tilespmem:s0], [sflag:$0x5], $0x80, s26, s29, $0xb8;
	[tilespmem:$0x18A80] =	vst v63  }
.Ltmp0:
0x77: {  	_ =	swait.ge [sflag:s23], $0x2800;
	(pc) =	sbr.rel @p1 .LBB2_2-.Ltmp0, $4  }
0x78: {  	[sflag:s23] =	ssyncset.done $0x0  }
0x79: {  	s15 =	sadd.s32 s14, s21;
	[sflag:s23] =	ssyncadd.s32 $0xFFFFD800  }
0x7a: {  	[tilespmem:s25], [sflag:$0x2] =	stream.linear.gather [hbm4b:s15+s3], $0x50, $0x38;
	[tilespmem:$0x18A80] =	vst v63  }
0x7b: {  	s13 =	sadd.s32 $0xA0, s13;
	s14 =	sadd.s32 s14, s20  }
0x7c: {  	[tilespmem:s26], [sflag:$0x2] =	stream.linear.gather [hbm4b:s14+s3], $0x50, $0x38;
	[tilespmem:$0x18A80] =	vst v63  }
0x7d: {  	_ =	swait.ge [sflag:s31], $0x50  }
0x7e: {  	[sflag:s31] =	ssyncset.done $0x0  }
0x7f: {  	[sflag:s31] =	ssyncadd.s32 $0xFFFFFFB0  }
0x80: {  	_ =	swait.ge [sflag:s31], $0x50  }
0x81: {  	[sflag:s31] =	ssyncset.done $0x0  }
0x82: {  	[sflag:s31] =	ssyncadd.s32 $0xFFFFFFB0  }
0x83: {  	[tilespmem:s0], [sflag:$0x4] =	stream.indirect.gather [hbm4b:s1+s29], $0x80, s25, s29, $0xb8;
	[tilespmem:$0x18A80] =	vst v63  }
0x84: {  	_ =	swait.ge [sflag:s6], $0x2800  }
0x85: {  	[sflag:s6] =	ssyncset.done $0x0  }
0x86: {  	[sflag:s6] =	ssyncadd.s32 $0xFFFFD800  }
0x87: {  	[spmem:s2] =	stream.indirect.scatter.add.f32 [tilespmem:s30], [sflag:$0x5], $0x80, s24, s29, $0xb8;
	[tilespmem:$0x18A80] =	vst v63  }
0x88: {  	_ =	swait.ge [sflag:s23], $0x2800  }
0x89: {  	[sflag:s23] =	ssyncset.done $0x0  }
0x8a: {  	[sflag:s23] =	ssyncadd.s32 $0xFFFFD800  }
0x8b: {  	[tilespmem:s3], [sflag:$0x1] =	stream.linear.gather [hbm4b:s18+s3], $0x50, $0x38;
	[tilespmem:$0x18A80] =	vst v63  }
0x8c: {  	_ = 	snop  }
0x8d: {  	[tilespmem:s24], [sflag:$0x1] =	stream.linear.gather [hbm4b:s19+s3], $0x50, $0x38;
	[tilespmem:$0x18A80] =	vst v63  }
0x8e: {  	_ =	swait.ge [sflag:s7], $0x2800  }
0x8f: {  	[sflag:s7] =	ssyncset.done $0x0  }
0x90: {  	[sflag:s7] =	ssyncadd.s32 $0xFFFFD800  }
0x91: {  	_ =	swait.ge [sflag:s28], $0x50  }
0x92: {  	[sflag:s28] =	ssyncset.done $0x0  }
0x93: {  	[sflag:s28] =	ssyncadd.s32 $0xFFFFFFB0  }
0x94: {  	_ =	swait.ge [sflag:s28], $0x50  }
0x95: {  	[sflag:s28] =	ssyncset.done $0x0  }
0x96: {  	[sflag:s28] =	ssyncadd.s32 $0xFFFFFFB0  }
0x97: {  	[tilespmem:s30], [sflag:$0x3] =	stream.indirect.gather [hbm4b:s1+s29], $0x80, s3, s29, $0xb8;
	[tilespmem:$0x18A80] =	vst v63  }
0x98: {  	_ = 	snop  }
0x99: {  	[spmem:s2] =	stream.indirect.scatter.add.f32 [tilespmem:s0], [sflag:$0x5], $0x80, s26, s29, $0xb8;
	[tilespmem:$0x18A80] =	vst v63  }
0x9a: {  	_ =	swait.ge [sflag:s23], $0x2800  }
0x9b: {  	[sflag:s23] =	ssyncset.done $0x0  }
0x9c: {  	[sflag:s23] =	ssyncadd.s32 $0xFFFFD800  }
0x9d: {  	_ =	swait.ge [sflag:s6], $0x2800  }
0x9e: {  	[sflag:s6] =	ssyncset.done $0x0  }
0x9f: {  	[sflag:s6] =	ssyncadd.s32 $0xFFFFD800  }
0xa0: {  	[spmem:s2] =	stream.indirect.scatter.add.f32 [tilespmem:s30], [sflag:$0x5], $0x80, s24, s29, $0xb8;
	[tilespmem:$0x18A80] =	vst v63  }
0xa1: {  	_ =	swait.ge [sflag:s23], $0x2800  }
0xa2: {  	[sflag:s23] =	ssyncset.done $0x0  }
0xa3: {  	[sflag:s23] =	ssyncadd.s32 $0xFFFFD800  }
0xa4: {  	[bflag:$0x0] =	sbarrier.arrive $0xFFFF  }
0xa5: {  	s12 =	rddreg [dreg:$0xd]  }
0xa6: {  	[hbm:s12], [sflag:s8] =	dma.local [spmem:s10], $0x2700  }
0xa7: {  	_ =	swait.ge [sflag:s23], $0x2700  }
0xa8: {  	s9 =	sadd.s32 $0x1, s9;
	[sflag:s23] =	ssyncset.done $0x0  }
0xa9: {  	p1 =	sne.s32 s9, s17;
	s10 =	rddreg [dreg:$0xe];
	[sflag:s23] =	ssyncadd.s32 $0xFFFFD900  }
0xaa: {  	[hbm:s10], [sflag:s8] =	dma.local @!p0 [spmem:s11], $0x100  }
.Ltmp1:
0xab: {  	_ = 	snop;
	(pc) =	sbr.rel @p1 .LBB2_1-.Ltmp1, $4  }
0xac: {  	s10 =	simm.s32 @!p0 $0x5  }
0xad: {  	_ =	swait.ge @!p0 [sflag:s10], $0x100  }
0xae: {  	[sflag:s10] =	ssyncset.done @!p0 $0x0  }
0xaf: {  	[sflag:s10] =	ssyncadd.s32 @!p0 $0xFFFFFF00  }
0xb0: {  	_ =	sfence.sel $0x180000  }
0xb1: {  	[bflag:$0x0] =	sbarrier.arrive $0xFFFF  }
0xb2: {  	_ =	strace $0x9000004A  }
0xb3: {  	[bflag:$0x2] =	sbarrier.arrive $0xFFFF  }
0xb4: {  	s0 =	rddreg [dreg:$0x4]  }
0xb5: {  	s0 =	sadd.s32 @!p0 $0x100000, s0  }
0xb6: {  	[sflag:s0] =	ssyncadd.tile.s32 @!p0 $0x1;
	_ =	shalt  }
.Lfunc_end2:
_tile_overlayer_lowered:
.L_overlay_start_2:
0xb7: {  	(tag) =	ssettag $0x2  }
0xb8: {  	s0 =	rddreg [dreg:$0x0];
	s2 =	stileid.u32  }
0xb9: {  	s1 =	rddreg [dreg:$0x1];
	p0 =	sne.s32 s2, $0x0  }
0xba: {  	s3 =	rddreg [dreg:$0x2];
	[bflag:$0x3] =	sbarrier.arrive $0xFFFF;
	s2 =	simm.s32 @!p0 $0x1C05  }
0xbb: {  	[timem:s3], [sflag:s2] =	dma.local @!p0 [hbm:s0], s1  }
0xbc: {  	s0 =	simm.s32 @!p0 $0x5  }
0xbd: {  	_ =	swait.ge @!p0 [sflag:s0], s1  }
0xbe: {  	s1 =	ssub.s32 @!p0 $0x0, s1;
	[sflag:s0] =	ssyncset.done @!p0 $0x0  }
0xbf: {  	[sflag:s0] =	ssyncadd.s32 @!p0 s1  }
0xc0: {  	[bflag:$0x3] =	sbarrier.arrive $0xFFFF  }
0xc1: {  	_ =	shalt  }

// kernel: kernel.13.cloned.1.call-start
scs
__scs_entry_jumppad:
0x0: {  	(pc) =	sbr.rel $0x88, $3  }
0x1: {  	(tag) =	ssettag $0x0;
	lr =	simm.s32 $0x1  }
0x2: {  	[smem:$0x3F97] =	sst lr;
	_ =	strace $0xD0000000  }
0x3: {  	_ = 	snop  }
0x4: {  	_ = 	snop  }
0x5: {  	_ = 	snop  }
0x6: {  	_ = 	snop  }
0x7: {  	_ = 	snop  }
__scs_overlays_trampoline_lowered:
0x8: {  	[smem:$0x3FA6] =	sst s0  }
0x9: {  	[smem:$0x3FA7] =	sst s1  }
0xa: {  	[smem:$0x3FA8] =	sst s2  }
0xb: {  	[smem:$0x3FA9] =	sst s3  }
0xc: {  	[smem:$0x3FAA] =	sst s4  }
0xd: {  	[smem:$0x3FAB] =	sst s5  }
0xe: {  	[smem:$0x3FAC] =	sst s6  }
0xf: {  	[smem:$0x3FAD] =	sst s7  }
0x10: {  	[smem:$0x3FAE] =	sst s8  }
0x11: {  	[smem:$0x3FAF] =	sst s9;
	s0 =	simm.s32 @!p0 $0x0  }
0x12: {  	s1 =	sld [smem:$0x3F95];
	s0 =	simm.s32 @p0 $0x1  }
0x13: {  	[smem:$0x3FB0] =	sst s0;
	s0 =	simm.s32 @!p1 $0x0  }
0x14: {  	s2 =	sld [smem:$0x3F94];
	s0 =	simm.s32 @p1 $0x1  }
0x15: {  	[smem:$0x3FB1] =	sst s0;
	s0 =	simm.s32 @!p2 $0x0  }
0x16: {  	s3 =	sld [smem:$0x3FDB];
	s0 =	simm.s32 @p2 $0x1  }
0x17: {  	s4 =	simm.s32 $0x1BF5;
	[smem:$0x3FB3] =	sst s0  }
0x18: {  	s0 =	sld [smem:$0x3F96];
	_ =	swait.ge [sflag:s4], $0x0  }
0x19: {  	s7 =	sld [smem:$0x3F97]  }
0x1a: {  	s8 =	sadd.s32 $0xFFFFE003, lr  }
0x1b: {  	s9 =	sadd.s32 $0xFFFFFEF7, lr;
	s5 =	simm.s32 $0xFFFFFFFF;
	p2 =	slt.u32 s8, $0xFFFFF086  }
0x1c: {  	p1 =	slt.u32 s9, $0xF7A;
	s5 =	simm.s32 @!p2 $0x0  }
0x1d: {  	s5 =	simm.s32 @p1 $0x1;
	p0 =	seq.s32 s7, s2  }
0x1e: {  	s7 =	smul.u32 @!p0 $0xF7A, s2;
	p2 =	seq.s32 @!p0 s5, $0x0  }
0x1f: {  	s9 =	smul.u32 $0xF7A, s1;
	s8 =	simm.s32 @!p0 $0x1BF5;
	p2 =	por !p2, p0  }
0x20: {  	[sflag:s8] =	ssyncset.s32 @!p0 $0xFFFFF086;
	s6 =	sadd.s32 @!p0 s3, s7;
	s7 =	simm.s32 @!p0 $0x108  }
0x21: {  	s3 =	sadd.s32 s3, s9;
	s6 =	sadd.s32 @!p0 $0x88, s6;
	s7 =	simm.s32 @p2 $0x1082  }
0x22: {  	[simem:s7], [sflag:s8] =	dma.local @!p0 [hbm:s6], $0xF7A  }
0x23: {  	s9 =	sor.u32 $0xD0000000, s2;
	s6 =	simm.s32 $0x108;
	_ =	swait.ge @!p0 [sflag:s8], $0x0  }
0x24: {  	s3 =	sadd.s32 $0x88, s3;
	s6 =	simm.s32 @!p1 $0x1082;
	[sflag:s4] =	ssyncset.s32 $0xFFFFF086  }
0x25: {  	[simem:s6], [sflag:s4] =	dma.local [hbm:s3], $0xF7A  }
0x26: {  	[smem:$0x3F97] =	sst s1;
	(tag) =	ssettag s2;
	_ =	strace s9  }
0x27: {  	s1 =	sld [smem:$0x3FA7]  }
0x28: {  	s2 =	sld [smem:$0x3FA8]  }
0x29: {  	s4 =	sld [smem:$0x3FAA]  }
0x2a: {  	p0 =	seq.s32 s5, $0x0;
	s5 =	sld [smem:$0x3FAB]  }
0x2b: {  	s6 =	sld [smem:$0x3FAC]  }
0x2c: {  	s7 =	sld [smem:$0x3FAD]  }
0x2d: {  	s3 =	simm.s32 $0x108;
	s8 =	sld [smem:$0x3FAE]  }
0x2e: {  	s3 =	simm.s32 @!p0 $0x1082;
	s9 =	sld [smem:$0x3FAF]  }
0x2f: {  	lr =	sadd.s32 s0, s3;
	s0 =	sld [smem:$0x3FA6]  }
0x30: {  	s3 =	sld [smem:$0x3FA9]  }
0x31: {  	[smem:$0x3FB2] =	sst s10  }
0x32: {  	s10 =	sld [smem:$0x3FB0];
	_ =	sdelay $0x3  }
0x33: {  	p0 =	seq.s32 s10, $0x1;
	s10 =	sld [smem:$0x3FB2];
	_ =	sdelay $0x3  }
0x34: {  	[smem:$0x3FB2] =	sst s10  }
0x35: {  	s10 =	sld [smem:$0x3FB1];
	_ =	sdelay $0x3  }
0x36: {  	p1 =	seq.s32 s10, $0x1;
	s10 =	sld [smem:$0x3FB2];
	_ =	sdelay $0x3  }
0x37: {  	[smem:$0x3FB2] =	sst s10  }
0x38: {  	s10 =	sld [smem:$0x3FB3]  }
0x39: {  	_ = 	snop;
	(pc) =	sbr.ind lr, $3  }
0x3a: {  	_ = 	snop  }
0x3b: {  	_ = 	snop  }
0x3c: {  	p2 =	seq.s32 s10, $0x1;
	s10 =	sld [smem:$0x3FB2]  }
0x3d: {  	_ =	shalt  }
0x3e: {  	_ =	shalt  }
0x3f: {  	_ =	shalt  }
0x40: {  	_ =	shalt  }
0x41: {  	_ =	shalt  }
0x42: {  	_ =	shalt  }
0x43: {  	_ =	shalt  }
0x44: {  	_ =	shalt  }
0x45: {  	_ =	shalt  }
0x46: {  	_ =	shalt  }
0x47: {  	_ =	shalt  }
0x48: {  	_ =	shalt  }
0x49: {  	_ =	shalt  }
0x4a: {  	_ =	shalt  }
0x4b: {  	_ =	shalt  }
0x4c: {  	_ =	shalt  }
0x4d: {  	_ =	shalt  }
0x4e: {  	_ =	shalt  }
0x4f: {  	_ =	shalt  }
0x50: {  	_ =	shalt  }
0x51: {  	_ =	shalt  }
0x52: {  	_ =	shalt  }
0x53: {  	_ =	shalt  }
0x54: {  	_ =	shalt  }
0x55: {  	_ =	shalt  }
0x56: {  	_ =	shalt  }
0x57: {  	_ =	shalt  }
0x58: {  	_ =	shalt  }
0x59: {  	_ =	shalt  }
0x5a: {  	_ =	shalt  }
0x5b: {  	_ =	shalt  }
0x5c: {  	_ =	shalt  }
0x5d: {  	_ =	shalt  }
0x5e: {  	_ =	shalt  }
0x5f: {  	_ =	shalt  }
0x60: {  	_ =	shalt  }
0x61: {  	_ =	shalt  }
0x62: {  	_ =	shalt  }
0x63: {  	_ =	shalt  }
0x64: {  	_ =	shalt  }
0x65: {  	_ =	shalt  }
0x66: {  	_ =	shalt  }
0x67: {  	_ =	shalt  }
0x68: {  	_ =	shalt  }
0x69: {  	_ =	shalt  }
0x6a: {  	_ =	shalt  }
0x6b: {  	_ =	shalt  }
0x6c: {  	_ =	shalt  }
0x6d: {  	_ =	shalt  }
0x6e: {  	_ =	shalt  }
0x6f: {  	_ =	shalt  }
0x70: {  	_ =	shalt  }
0x71: {  	_ =	shalt  }
0x72: {  	_ =	shalt  }
0x73: {  	_ =	shalt  }
0x74: {  	_ =	shalt  }
0x75: {  	_ =	shalt  }
0x76: {  	_ =	shalt  }
0x77: {  	_ =	shalt  }
0x78: {  	_ =	shalt  }
0x79: {  	_ =	shalt  }
0x7a: {  	_ =	shalt  }
0x7b: {  	_ =	shalt  }
0x7c: {  	_ =	shalt  }
0x7d: {  	_ =	shalt  }
0x7e: {  	_ =	shalt  }
0x7f: {  	_ =	shalt  }
0x80: {  	_ =	shalt  }
0x81: {  	_ =	shalt  }
0x82: {  	_ =	shalt  }
0x83: {  	_ =	shalt  }
0x84: {  	_ =	shalt  }
0x85: {  	_ =	shalt  }
0x86: {  	_ =	shalt  }
0x87: {  	_ =	shalt  }
.Lfunc_end0:
.L_simem_size_0:
called_computation.2_lowered:
.L_overlay_start_0:
0x88: {  	s2 =	sld [smem:$0x3FD9]  }
0x89: {  	s3 =	sld [smem:$0x3FFE];
	_ =	sdelay $0x1  }
0x8a: {  	s1 =	srdreg.scid  }
0x8b: {  	s0 =	sand.u32 $0x1, s1  }
0x8c: {  	s17 =	sshll.u32 s0, $0xA;
	s2 =	sadd.s32 s3, s2  }
0x8d: {  	s2 =	sadd.s32 s2, s17  }
0x8e: {  	[smem:$0x3FBE] =	sst s2  }
0x8f: {  	_ = 	snop  }
0x90: {  	s2 =	sld [smem:$0x3FD0];
	(tm) =	ssettm $0x1  }
0x91: {  	s18 =	sld [smem:$0x3FFB];
	_ =	sdelay $0x3  }
0x92: {  	_ =	strace s18  }
0x93: {  	s3 =	sld [smem:$0x3FFC];
	_ =	sdelay $0x3  }
0x94: {  	_ =	strace s3  }
0x95: {  	s3 =	sld [smem:$0x3FFD];
	_ =	sdelay $0x3  }
0x96: {  	_ =	strace s3  }
0x97: {  	_ =	strace $0x8FFFFFFF  }
0x98: {  	s19 =	sld [smem:$0x3FDB];
	_ =	sdelay $0x1  }
0x99: {  	s4 =	simm.s32 $_scs_section_size  }
0x9a: {  	s5 =	simm.s32 $_size__tile_overlayer_lowered;
	s6 =	simm.s32 $_tile_overlayer_lowered  }
0x9b: {  	s22 =	simm.s32 $0x1BFF;
	s21 =	sshll.u32 s6, $0x1;
	s3 =	sadd.s32 s4, s19  }
0x9c: {  	s7 =	simm.s32 $0x0;
	s20 =	sshll.u32 s5, $0x1;
	s5 =	sadd.s32 s21, s3  }
0x9d: {  	[timem:s7], [sflag:s22] =	dma.local [hbm:s5], s20  }
0x9e: {  	_ =	swait.ge [sflag:s22], s20  }
0x9f: {  	s4 =	ssub.s32 $0x0, s20;
	[sflag:s22] =	ssyncset.done $0x0  }
0xa0: {  	[sflag:s22] =	ssyncadd.s32 s4;
	_ =	sdelay $0x1  }
0xa1: {  	s23 =	simm.s32 $0x1B8B  }
0xa2: {  	_ =	swait.ge [sflag:s23], $0x1  }
0xa3: {  	[sflag:s23] =	ssyncset.done $0x0  }
0xa4: {  	s25 =	simm.s32 $0x1B8E;
	s24 =	sld [smem:$0x3FFE];
	[sflag:s23] =	ssyncadd.s32 $0xFFFFFFFF  }
0xa5: {  	s26 =	simm.s32 $execute0_lowered;
	[smem:$0x3FD2] =	sst s25  }
0xa6: {  	s5 =	sshll.u32 s26, $0x1;
	_ =	strace $0x8000004C;
	[dreg:$0x1] =	wrdreg $0xFFFFFFFF  }
0xa7: {  	s28 =	simm.s32 $_size_execute0_lowered;
	s3 =	sadd.s32 s3, s5;
	[dreg:$0x0] =	wrdreg $0x0  }
0xa8: {  	s5 =	sshll.u32 s28, $0x1;
	[dreg:$0x2] =	wrdreg s3  }
0xa9: {  	[dreg:$0x3] =	wrdreg s5  }
0xaa: {  	[dreg:$0x4] =	wrdreg $0xC0  }
0xab: {  	_ =	task [dreg:s7], $0x5FFFF  }
0xac: {  	[dreg:$0x1] =	wrdreg $0xFFFFFFFF  }
0xad: {  	[dreg:$0x0] =	wrdreg $0x60  }
0xae: {  	[dreg:$0x2] =	wrdreg s24  }
0xaf: {  	[dreg:$0x3] =	wrdreg s2  }
0xb0: {  	[dreg:$0x4] =	wrdreg $0x52000  }
0xb1: {  	[dreg:$0x5] =	wrdreg $0x9  }
0xb2: {  	_ =	task.clear_ibuf [dreg:s7], $0x6FFFF;
	_ =	strace $0x9000004C  }
0xb3: {  	s29 =	simm.s32 $0x9;
	_ =	strace $0x8000004E  }
0xb4: {  	_ =	swait.ge [sflag:s29], $0x1  }
0xb5: {  	[sflag:s29] =	ssyncadd.s32 $0xFFFFFFFF  }
0xb6: {  	_ =	strace $0x9000004E  }
0xb7: {  	_ =	sfence  }
0xb8: {  	s30 =	sld [smem:$0x0];
	_ =	sdelay $0x2  }
0xb9: {  	s31 =	sshll.u32 s1, $0xD;
	s1 =	sshrl.u32 s1, $0x2  }
0xba: {  	s3 =	sand.u32 $0x4000, s31;
	s1 =	sadd.s32 s1, s30  }
0xbb: {  	s0 =	sor.u32 s3, s0;
	s1 =	sshll.u32 s1, $0x11  }
0xbc: {  	s0 =	sor.u32 s1, s0  }
0xbd: {  	s0 =	sadd.s32 $0x8F2B, s0  }
0xbe: {  	[sflag:s0] =	ssyncadd.remote.s32 $0x1  }
0xbf: {  	_ =	sfence.sel $0xFFFF  }
0xc0: {  	[dreg:$0x0] =	wrdreg $0xFFFFFFFF;
	(pc) =	sbr.abs _section_cstart, $3  }
0xc1: {  	[dreg:$0x1] =	wrdreg $0xFFFFFFFF  }
0xc2: {  	_ =	task.clear_ibuf [dreg:s7], $0x2FFFF;
	_ =	strace $0x9FFFFFFF  }
0xc3: {  	(tm) =	ssettm $0x7FFFFFFF  }
tec
execute0_lowered:
.L_overlay_start_1:
0x0: {  	(tag) =	ssettag $0x1  }
0x1: {  	s0 =	rddreg [dreg:$0x0]  }
0x2: {  	s6 =	rddreg [dreg:$0x1]  }
0x3: {  	s1 =	rddreg [dreg:$0x2];
	s2 =	simm.s32 $0x0  }
0x4: {  	s4 =	srdreg.scid;
	s9 =	stileid.u32;
	s28 =	simm.s32 $0x1  }
0x5: {  	s29 =	simm.s32 $0x50;
	s30 =	simm.s32 $0x200;
	s31 =	simm.s32 $0x2  }
0x6: {  	[smem:$0x7FF] =	sst s2;
	s3 =	sadd.s32 $0x17200, s0;
	s7 =	sand.u32 $0x1, s4  }
0x7: {  	s4 =	sadd.s32 $0xD400, s0;
	s5 =	sadd.s32 $0x3600, s0;
	s11 =	smul.u32 $0x4E000, s9  }
0x8: {  	s0 =	sadd.s32 $0x3E400, s0;
	s14 =	sshll.u32 s9, $0x1;
	s12 =	smul.u32 $0x2700, s9  }
0x9: {  	s16 =	sshll.u32 s9, $0x6;
	s21 =	smul.u32 $0x4E20, s9;
	p0 =	sne.s32 s9, $0x0  }
0xa: {  	s9 =	simm.s32 $0x0;
	s8 =	ssub.s32 $0x2, s7;
	s18 =	smul.u32 $0x27100, s7  }
0xb: {  	_ =	strace $0x8000004D;
	s19 =	smul.u32 $0x138800, s7;
	s10 =	sshrl.u32 s8, $0x1  }
0xc: {  	s11 =	sshrl.u32 s11, $0x2;
	s17 =	sadd.s32 s6, s12;
	s6 =	sadd.s32 $0x27000, s6  }
0xd: {  	s10 =	ssub.s32 s8, s10;
	s8 =	sor.u32 s7, s14;
	[dreg:$0x5] =	wrdreg s17  }
0xe: {  	s15 =	sadd.s32 s11, s1;
	s14 =	sadd.s32 $0x138000, s1;
	[dreg:$0x7] =	wrdreg s6  }
0xf: {  	s7 =	smul.u32 $0x2710, s7;
	s11 =	sadd.s32 s12, s18;
	[dreg:$0x4] =	wrdreg s15  }
0x10: {  	s13 =	smul.u32 $0x2710, s8;
	[dreg:$0x6] =	wrdreg s14;
	s14 =	sshrl.u32 s19, $0x3  }
0x11: {  	s8 =	sor.u32 $0x1C05, s16;
	s17 =	smax.u32 s10, $0x1;
	s23 =	sadd.s32 s0, s14  }
0x12: {  	s6 =	sadd.s32 s7, s21;
	s0 =	sadd.s32 s0, s11;
	s7 =	simm.s32 $0x4  }
0x13: {  	s13 =	sshrl.u32 s13, $0x3;
	[dreg:$0xc] =	wrdreg s0;
	s24 =	sadd.s32 $0x27000, s23  }
0x14: {  	s25 =	sadd.s32 $0xF0, s6;
	s23 =	simm.s32 $0x5;
	s20 =	sadd.s32 s4, s13  }
0x15: {  	s15 =	sadd.s32 s5, s13;
	s22 =	sadd.s32 $0xA, s13;
	[dreg:$0xd] =	wrdreg s24  }
0x16: {  	s26 =	sadd.s32 $0x4D8, s13;
	s0 =	sshrl.u32 s25, $0x3;
	[dreg:$0x8] =	wrdreg s20  }
0x17: {  	s24 =	simm.s32 $0x100;
	s25 =	simm.s32 $0x80;
	[dreg:$0x9] =	wrdreg s15  }
0x18: {  	s16 =	sadd.s32 s4, s22;
	s15 =	sadd.s32 s5, s22;
	s18 =	sadd.s32 s4, s26  }
0x19: {  	s19 =	sadd.s32 s5, s26;
	s20 =	sadd.s32 s0, s5;
	s21 =	sadd.s32 s0, s4  }
0x1a: {  	s22 =	sadd.s32 $0xA0, s6;
	s26 =	simm.s32 $0x180;
	[dreg:$0xa] =	wrdreg s16  }
0x1b: {  	s0 =	simm.s32 $0x2A00;
	s6 =	simm.s32 $0x3;
	[dreg:$0xb] =	wrdreg s15  }
.LBB2_1:
0x1c: {  	s10 =	rddreg [dreg:$0x4]  }
0x1d: {  	s11 =	rddreg [dreg:$0x5];
	s10 =	sshrl.u32 s10, $0x3  }
0x1e: {  	[spmem:s10], [sflag:s8] =	dma.local [hbm:s11], $0x2700  }
0x1f: {  	_ =	swait.ge [sflag:s23], $0x2700  }
0x20: {  	[sflag:s23] =	ssyncset.done $0x0;
	s11 =	rddreg [dreg:$0x6]  }
0x21: {  	s12 =	rddreg [dreg:$0x7];
	[sflag:s23] =	ssyncadd.s32 $0xFFFFD900;
	s11 =	sshrl.u32 @!p0 s11, $0x3  }
0x22: {  	[spmem:s11], [sflag:s8] =	dma.local @!p0 [hbm:s12], $0x100  }
0x23: {  	s12 =	simm.s32 @!p0 $0x5  }
0x24: {  	_ =	swait.ge @!p0 [sflag:s12], $0x100  }
0x25: {  	[sflag:s12] =	ssyncset.done @!p0 $0x0  }
0x26: {  	s15 =	rddreg [dreg:$0x8];
	[sflag:s12] =	ssyncadd.s32 @!p0 $0xFFFFFF00  }
0x27: {  	[tilespmem:s2], [sflag:$0x1] =	stream.linear.gather [hbm4b:s15+s2], $0x50, $0x38;
	[tilespmem:$0x18A80] =	vst v63  }
0x28: {  	s16 =	rddreg [dreg:$0x9]  }
0x29: {  	[tilespmem:s24], [sflag:$0x1] =	stream.linear.gather [hbm4b:s16+s2], $0x50, $0x38;
	[tilespmem:$0x18A80] =	vst v63  }
0x2a: {  	s13 =	rddreg [dreg:$0xa]  }
0x2b: {  	[tilespmem:s25], [sflag:$0x2] =	stream.linear.gather [hbm4b:s13+s2], $0x50, $0x38;
	[tilespmem:$0x18A80] =	vst v63  }
0x2c: {  	s14 =	rddreg [dreg:$0xb]  }
0x2d: {  	[tilespmem:s26], [sflag:$0x2] =	stream.linear.gather [hbm4b:s14+s2], $0x50, $0x38;
	[tilespmem:$0x18A80] =	vst v63  }
0x2e: {  	[bflag:$0x0] =	sbarrier.arrive $0xFFFF  }
0x2f: {  	_ =	swait.ge [sflag:s28], $0x50  }
0x30: {  	[sflag:s28] =	ssyncset.done $0x0  }
0x31: {  	[sflag:s28] =	ssyncadd.s32 $0xFFFFFFB0  }
0x32: {  	_ =	swait.ge [sflag:s28], $0x50  }
0x33: {  	[sflag:s28] =	ssyncset.done $0x0  }
0x34: {  	[sflag:s28] =	ssyncadd.s32 $0xFFFFFFB0  }
0x35: {  	[tilespmem:s30], [sflag:$0x3] =	stream.indirect.gather [hbm4b:s3+s29], $0x80, s2, s29, $0xb8;
	[tilespmem:$0x18A80] =	vst v63  }
0x36: {  	_ =	swait.ge [sflag:s31], $0x50  }
0x37: {  	[sflag:s31] =	ssyncset.done $0x0  }
0x38: {  	[sflag:s31] =	ssyncadd.s32 $0xFFFFFFB0  }
0x39: {  	_ =	swait.ge [sflag:s31], $0x50  }
0x3a: {  	[sflag:s31] =	ssyncset.done $0x0  }
0x3b: {  	[sflag:s31] =	ssyncadd.s32 $0xFFFFFFB0  }
0x3c: {  	[tilespmem:s0], [sflag:$0x4] =	stream.indirect.gather [hbm4b:s3+s29], $0x80, s25, s29, $0xb8;
	[tilespmem:$0x18A80] =	vst v63  }
0x3d: {  	_ =	swait.ge [sflag:s6], $0x2800  }
0x3e: {  	[sflag:s6] =	ssyncset.done $0x0  }
0x3f: {  	[sflag:s6] =	ssyncadd.s32 $0xFFFFD800  }
0x40: {  	[spmem:s1] =	stream.indirect.scatter.add.f32 [tilespmem:s30], [sflag:$0x5], $0x80, s24, s29, $0xb8;
	[tilespmem:$0x18A80] =	vst v63  }
0x41: {  	_ =	swait.ge [sflag:s23], $0x2800  }
0x42: {  	s15 =	sshrl.u32 s22, $0x3;
	[sflag:s23] =	ssyncset.done $0x0  }
0x43: {  	s13 =	sadd.s32 s4, s15;
	[sflag:s23] =	ssyncadd.s32 $0xFFFFD800  }
0x44: {  	[tilespmem:s2], [sflag:$0x1] =	stream.linear.gather [hbm4b:s13+s2], $0x50, $0x38;
	[tilespmem:$0x18A80] =	vst v63  }
0x45: {  	s12 =	sadd.s32 s5, s15  }
0x46: {  	[tilespmem:s24], [sflag:$0x1] =	stream.linear.gather [hbm4b:s12+s2], $0x50, $0x38;
	[tilespmem:$0x18A80] =	vst v63  }
0x47: {  	_ =	swait.ge [sflag:s7], $0x2800  }
0x48: {  	[sflag:s7] =	ssyncset.done $0x0  }
0x49: {  	[sflag:s7] =	ssyncadd.s32 $0xFFFFD800  }
0x4a: {  	_ =	swait.ge [sflag:s28], $0x50  }
0x4b: {  	[sflag:s28] =	ssyncset.done $0x0  }
0x4c: {  	[sflag:s28] =	ssyncadd.s32 $0xFFFFFFB0  }
0x4d: {  	_ =	swait.ge [sflag:s28], $0x50  }
0x4e: {  	[sflag:s28] =	ssyncset.done $0x0  }
0x4f: {  	[sflag:s28] =	ssyncadd.s32 $0xFFFFFFB0  }
0x50: {  	[tilespmem:s30], [sflag:$0x3] =	stream.indirect.gather [hbm4b:s3+s29], $0x80, s2, s29, $0xb8;
	[tilespmem:$0x18A80] =	vst v63  }
0x51: {  	_ = 	snop  }
0x52: {  	[spmem:s1] =	stream.indirect.scatter.add.f32 [tilespmem:s0], [sflag:$0x5], $0x80, s26, s29, $0xb8;
	[tilespmem:$0x18A80] =	vst v63  }
0x53: {  	_ =	swait.ge [sflag:s23], $0x2800  }
0x54: {  	s16 =	sadd.s32 $0x0, s21;
	s14 =	sadd.s32 $0x0, s20;
	[sflag:s23] =	ssyncset.done $0x0  }
0x55: {  	s13 =	sadd.s32 $0xA0, s22;
	s12 =	simm.s32 $0x14;
	[sflag:s23] =	ssyncadd.s32 $0xFFFFD800  }
0x56: {  	[tilespmem:s25], [sflag:$0x2] =	stream.linear.gather [hbm4b:s16+s2], $0x50, $0x38;
	[tilespmem:$0x18A80] =	vst v63  }
.LBB2_2:
0x57: {  	[tilespmem:s26], [sflag:$0x2] =	stream.linear.gather [hbm4b:s14+s2], $0x50, $0x38;
	[tilespmem:$0x18A80] =	vst v63  }
0x58: {  	s14 =	smov.u32 s12  }
0x59: {  	p1 =	sne.s32 s12, $0x4B0;
	s12 =	sadd.s32 $0x14, s12;
	_ =	swait.ge [sflag:s31], $0x50  }
0x5a: {  	[sflag:s31] =	ssyncset.done $0x0  }
0x5b: {  	[sflag:s31] =	ssyncadd.s32 $0xFFFFFFB0  }
0x5c: {  	_ =	swait.ge [sflag:s31], $0x50  }
0x5d: {  	[sflag:s31] =	ssyncset.done $0x0  }
0x5e: {  	[sflag:s31] =	ssyncadd.s32 $0xFFFFFFB0  }
0x5f: {  	[tilespmem:s0], [sflag:$0x4] =	stream.indirect.gather [hbm4b:s3+s29], $0x80, s25, s29, $0xb8;
	[tilespmem:$0x18A80] =	vst v63  }
0x60: {  	_ =	swait.ge [sflag:s6], $0x2800  }
0x61: {  	[sflag:s6] =	ssyncset.done $0x0  }
0x62: {  	[sflag:s6] =	ssyncadd.s32 $0xFFFFD800  }
0x63: {  	[spmem:s1] =	stream.indirect.scatter.add.f32 [tilespmem:s30], [sflag:$0x5], $0x80, s24, s29, $0xb8;
	[tilespmem:$0x18A80] =	vst v63  }
0x64: {  	_ =	swait.ge [sflag:s23], $0x2800  }
0x65: {  	s15 =	sshrl.u32 s13, $0x3;
	[sflag:s23] =	ssyncset.done $0x0  }
0x66: {  	s16 =	sadd.s32 s4, s15;
	[sflag:s23] =	ssyncadd.s32 $0xFFFFD800  }
0x67: {  	[tilespmem:s2], [sflag:$0x1] =	stream.linear.gather [hbm4b:s16+s2], $0x50, $0x38;
	[tilespmem:$0x18A80] =	vst v63  }
0x68: {  	s15 =	sadd.s32 s5, s15  }
0x69: {  	[tilespmem:s24], [sflag:$0x1] =	stream.linear.gather [hbm4b:s15+s2], $0x50, $0x38;
	[tilespmem:$0x18A80] =	vst v63  }
0x6a: {  	_ =	swait.ge [sflag:s7], $0x2800  }
0x6b: {  	[sflag:s7] =	ssyncset.done $0x0  }
0x6c: {  	[sflag:s7] =	ssyncadd.s32 $0xFFFFD800  }
0x6d: {  	_ =	swait.ge [sflag:s28], $0x50  }
0x6e: {  	[sflag:s28] =	ssyncset.done $0x0  }
0x6f: {  	[sflag:s28] =	ssyncadd.s32 $0xFFFFFFB0  }
0x70: {  	_ =	swait.ge [sflag:s28], $0x50  }
0x71: {  	[sflag:s28] =	ssyncset.done $0x0  }
0x72: {  	[sflag:s28] =	ssyncadd.s32 $0xFFFFFFB0  }
0x73: {  	[tilespmem:s30], [sflag:$0x3] =	stream.indirect.gather [hbm4b:s3+s29], $0x80, s2, s29, $0xb8;
	[tilespmem:$0x18A80] =	vst v63  }
0x74: {  	_ = 	snop  }
0x75: {  	[spmem:s1] =	stream.indirect.scatter.add.f32 [tilespmem:s0], [sflag:$0x5], $0x80, s26, s29, $0xb8;
	[tilespmem:$0x18A80] =	vst v63  }
.Ltmp0:
0x76: {  	_ =	swait.ge [sflag:s23], $0x2800;
	(pc) =	sbr.rel @p1 .LBB2_2-.Ltmp0, $4  }
0x77: {  	[sflag:s23] =	ssyncset.done $0x0  }
0x78: {  	s15 =	sadd.s32 s14, s21;
	[sflag:s23] =	ssyncadd.s32 $0xFFFFD800  }
0x79: {  	[tilespmem:s25], [sflag:$0x2] =	stream.linear.gather [hbm4b:s15+s2], $0x50, $0x38;
	[tilespmem:$0x18A80] =	vst v63  }
0x7a: {  	s13 =	sadd.s32 $0xA0, s13;
	s14 =	sadd.s32 s14, s20  }
0x7b: {  	[tilespmem:s26], [sflag:$0x2] =	stream.linear.gather [hbm4b:s14+s2], $0x50, $0x38;
	[tilespmem:$0x18A80] =	vst v63  }
0x7c: {  	_ =	swait.ge [sflag:s31], $0x50  }
0x7d: {  	[sflag:s31] =	ssyncset.done $0x0  }
0x7e: {  	[sflag:s31] =	ssyncadd.s32 $0xFFFFFFB0  }
0x7f: {  	_ =	swait.ge [sflag:s31], $0x50  }
0x80: {  	[sflag:s31] =	ssyncset.done $0x0  }
0x81: {  	[sflag:s31] =	ssyncadd.s32 $0xFFFFFFB0  }
0x82: {  	[tilespmem:s0], [sflag:$0x4] =	stream.indirect.gather [hbm4b:s3+s29], $0x80, s25, s29, $0xb8;
	[tilespmem:$0x18A80] =	vst v63  }
0x83: {  	_ =	swait.ge [sflag:s6], $0x2800  }
0x84: {  	[sflag:s6] =	ssyncset.done $0x0  }
0x85: {  	[sflag:s6] =	ssyncadd.s32 $0xFFFFD800  }
0x86: {  	[spmem:s1] =	stream.indirect.scatter.add.f32 [tilespmem:s30], [sflag:$0x5], $0x80, s24, s29, $0xb8;
	[tilespmem:$0x18A80] =	vst v63  }
0x87: {  	_ =	swait.ge [sflag:s23], $0x2800  }
0x88: {  	[sflag:s23] =	ssyncset.done $0x0  }
0x89: {  	[sflag:s23] =	ssyncadd.s32 $0xFFFFD800  }
0x8a: {  	[tilespmem:s2], [sflag:$0x1] =	stream.linear.gather [hbm4b:s18+s2], $0x50, $0x38;
	[tilespmem:$0x18A80] =	vst v63  }
0x8b: {  	_ = 	snop  }
0x8c: {  	[tilespmem:s24], [sflag:$0x1] =	stream.linear.gather [hbm4b:s19+s2], $0x50, $0x38;
	[tilespmem:$0x18A80] =	vst v63  }
0x8d: {  	_ =	swait.ge [sflag:s7], $0x2800  }
0x8e: {  	[sflag:s7] =	ssyncset.done $0x0  }
0x8f: {  	[sflag:s7] =	ssyncadd.s32 $0xFFFFD800  }
0x90: {  	_ =	swait.ge [sflag:s28], $0x50  }
0x91: {  	[sflag:s28] =	ssyncset.done $0x0  }
0x92: {  	[sflag:s28] =	ssyncadd.s32 $0xFFFFFFB0  }
0x93: {  	_ =	swait.ge [sflag:s28], $0x50  }
0x94: {  	[sflag:s28] =	ssyncset.done $0x0  }
0x95: {  	[sflag:s28] =	ssyncadd.s32 $0xFFFFFFB0  }
0x96: {  	[tilespmem:s30], [sflag:$0x3] =	stream.indirect.gather [hbm4b:s3+s29], $0x80, s2, s29, $0xb8;
	[tilespmem:$0x18A80] =	vst v63  }
0x97: {  	_ = 	snop  }
0x98: {  	[spmem:s1] =	stream.indirect.scatter.add.f32 [tilespmem:s0], [sflag:$0x5], $0x80, s26, s29, $0xb8;
	[tilespmem:$0x18A80] =	vst v63  }
0x99: {  	_ =	swait.ge [sflag:s23], $0x2800  }
0x9a: {  	[sflag:s23] =	ssyncset.done $0x0  }
0x9b: {  	[sflag:s23] =	ssyncadd.s32 $0xFFFFD800  }
0x9c: {  	_ =	swait.ge [sflag:s6], $0x2800  }
0x9d: {  	[sflag:s6] =	ssyncset.done $0x0  }
0x9e: {  	[sflag:s6] =	ssyncadd.s32 $0xFFFFD800  }
0x9f: {  	[spmem:s1] =	stream.indirect.scatter.add.f32 [tilespmem:s30], [sflag:$0x5], $0x80, s24, s29, $0xb8;
	[tilespmem:$0x18A80] =	vst v63  }
0xa0: {  	_ =	swait.ge [sflag:s23], $0x2800  }
0xa1: {  	[sflag:s23] =	ssyncset.done $0x0  }
0xa2: {  	[sflag:s23] =	ssyncadd.s32 $0xFFFFD800  }
0xa3: {  	[bflag:$0x0] =	sbarrier.arrive $0xFFFF  }
0xa4: {  	s12 =	rddreg [dreg:$0xc]  }
0xa5: {  	[hbm:s12], [sflag:s8] =	dma.local [spmem:s10], $0x2700  }
0xa6: {  	_ =	swait.ge [sflag:s23], $0x2700  }
0xa7: {  	s9 =	sadd.s32 $0x1, s9;
	[sflag:s23] =	ssyncset.done $0x0  }
0xa8: {  	p1 =	sne.s32 s9, s17;
	s10 =	rddreg [dreg:$0xd];
	[sflag:s23] =	ssyncadd.s32 $0xFFFFD900  }
0xa9: {  	[hbm:s10], [sflag:s8] =	dma.local @!p0 [spmem:s11], $0x100  }
.Ltmp1:
0xaa: {  	_ = 	snop;
	(pc) =	sbr.rel @p1 .LBB2_1-.Ltmp1, $4  }
0xab: {  	s10 =	simm.s32 @!p0 $0x5  }
0xac: {  	_ =	swait.ge @!p0 [sflag:s10], $0x100  }
0xad: {  	[sflag:s10] =	ssyncset.done @!p0 $0x0  }
0xae: {  	[sflag:s10] =	ssyncadd.s32 @!p0 $0xFFFFFF00  }
0xaf: {  	_ =	sfence.sel $0x180000  }
0xb0: {  	[bflag:$0x0] =	sbarrier.arrive $0xFFFF  }
0xb1: {  	_ =	strace $0x9000004D  }
0xb2: {  	[bflag:$0x2] =	sbarrier.arrive $0xFFFF  }
0xb3: {  	s0 =	rddreg [dreg:$0x3]  }
0xb4: {  	s0 =	sadd.s32 @!p0 $0x100000, s0  }
0xb5: {  	[sflag:s0] =	ssyncadd.tile.s32 @!p0 $0x1;
	_ =	shalt  }
.Lfunc_end2:
_tile_overlayer_lowered:
.L_overlay_start_2:
0xb6: {  	(tag) =	ssettag $0x2  }
0xb7: {  	s0 =	rddreg [dreg:$0x0];
	s2 =	stileid.u32  }
0xb8: {  	s1 =	rddreg [dreg:$0x1];
	p0 =	sne.s32 s2, $0x0  }
0xb9: {  	s3 =	rddreg [dreg:$0x2];
	[bflag:$0x3] =	sbarrier.arrive $0xFFFF;
	s2 =	simm.s32 @!p0 $0x1C05  }
0xba: {  	[timem:s3], [sflag:s2] =	dma.local @!p0 [hbm:s0], s1  }
0xbb: {  	s0 =	simm.s32 @!p0 $0x5  }
0xbc: {  	_ =	swait.ge @!p0 [sflag:s0], s1  }
0xbd: {  	s1 =	ssub.s32 @!p0 $0x0, s1;
	[sflag:s0] =	ssyncset.done @!p0 $0x0  }
0xbe: {  	[sflag:s0] =	ssyncadd.s32 @!p0 s1  }
0xbf: {  	[bflag:$0x3] =	sbarrier.arrive $0xFFFF  }
0xc0: {  	_ =	shalt  }

// kernel: kernel.7.cloned.1.call-start
scs
__scs_entry_jumppad:
0x0: {  	(pc) =	sbr.rel $0x88, $3  }
0x1: {  	(tag) =	ssettag $0x0;
	lr =	simm.s32 $0x1  }
0x2: {  	[smem:$0x3F97] =	sst lr;
	_ =	strace $0xD0000000  }
0x3: {  	_ = 	snop  }
0x4: {  	_ = 	snop  }
0x5: {  	_ = 	snop  }
0x6: {  	_ = 	snop  }
0x7: {  	_ = 	snop  }
__scs_overlays_trampoline_lowered:
0x8: {  	[smem:$0x3FA6] =	sst s0  }
0x9: {  	[smem:$0x3FA7] =	sst s1  }
0xa: {  	[smem:$0x3FA8] =	sst s2  }
0xb: {  	[smem:$0x3FA9] =	sst s3  }
0xc: {  	[smem:$0x3FAA] =	sst s4  }
0xd: {  	[smem:$0x3FAB] =	sst s5  }
0xe: {  	[smem:$0x3FAC] =	sst s6  }
0xf: {  	[smem:$0x3FAD] =	sst s7  }
0x10: {  	[smem:$0x3FAE] =	sst s8  }
0x11: {  	[smem:$0x3FAF] =	sst s9;
	s0 =	simm.s32 @!p0 $0x0  }
0x12: {  	s1 =	sld [smem:$0x3F95];
	s0 =	simm.s32 @p0 $0x1  }
0x13: {  	[smem:$0x3FB0] =	sst s0;
	s0 =	simm.s32 @!p1 $0x0  }
0x14: {  	s2 =	sld [smem:$0x3F94];
	s0 =	simm.s32 @p1 $0x1  }
0x15: {  	[smem:$0x3FB1] =	sst s0;
	s0 =	simm.s32 @!p2 $0x0  }
0x16: {  	s3 =	sld [smem:$0x3FDB];
	s0 =	simm.s32 @p2 $0x1  }
0x17: {  	s4 =	simm.s32 $0x1BF5;
	[smem:$0x3FB3] =	sst s0  }
0x18: {  	s0 =	sld [smem:$0x3F96];
	_ =	swait.ge [sflag:s4], $0x0  }
0x19: {  	s7 =	sld [smem:$0x3F97]  }
0x1a: {  	s8 =	sadd.s32 $0xFFFFE003, lr  }
0x1b: {  	s9 =	sadd.s32 $0xFFFFFEF7, lr;
	s5 =	simm.s32 $0xFFFFFFFF;
	p2 =	slt.u32 s8, $0xFFFFF086  }
0x1c: {  	p1 =	slt.u32 s9, $0xF7A;
	s5 =	simm.s32 @!p2 $0x0  }
0x1d: {  	s5 =	simm.s32 @p1 $0x1;
	p0 =	seq.s32 s7, s2  }
0x1e: {  	s7 =	smul.u32 @!p0 $0xF7A, s2;
	p2 =	seq.s32 @!p0 s5, $0x0  }
0x1f: {  	s9 =	smul.u32 $0xF7A, s1;
	s8 =	simm.s32 @!p0 $0x1BF5;
	p2 =	por !p2, p0  }
0x20: {  	[sflag:s8] =	ssyncset.s32 @!p0 $0xFFFFF086;
	s6 =	sadd.s32 @!p0 s3, s7;
	s7 =	simm.s32 @!p0 $0x108  }
0x21: {  	s3 =	sadd.s32 s3, s9;
	s6 =	sadd.s32 @!p0 $0x88, s6;
	s7 =	simm.s32 @p2 $0x1082  }
0x22: {  	[simem:s7], [sflag:s8] =	dma.local @!p0 [hbm:s6], $0xF7A  }
0x23: {  	s9 =	sor.u32 $0xD0000000, s2;
	s6 =	simm.s32 $0x108;
	_ =	swait.ge @!p0 [sflag:s8], $0x0  }
0x24: {  	s3 =	sadd.s32 $0x88, s3;
	s6 =	simm.s32 @!p1 $0x1082;
	[sflag:s4] =	ssyncset.s32 $0xFFFFF086  }
0x25: {  	[simem:s6], [sflag:s4] =	dma.local [hbm:s3], $0xF7A  }
0x26: {  	[smem:$0x3F97] =	sst s1;
	(tag) =	ssettag s2;
	_ =	strace s9  }
0x27: {  	s1 =	sld [smem:$0x3FA7]  }
0x28: {  	s2 =	sld [smem:$0x3FA8]  }
0x29: {  	s4 =	sld [smem:$0x3FAA]  }
0x2a: {  	p0 =	seq.s32 s5, $0x0;
	s5 =	sld [smem:$0x3FAB]  }
0x2b: {  	s6 =	sld [smem:$0x3FAC]  }
0x2c: {  	s7 =	sld [smem:$0x3FAD]  }
0x2d: {  	s3 =	simm.s32 $0x108;
	s8 =	sld [smem:$0x3FAE]  }
0x2e: {  	s3 =	simm.s32 @!p0 $0x1082;
	s9 =	sld [smem:$0x3FAF]  }
0x2f: {  	lr =	sadd.s32 s0, s3;
	s0 =	sld [smem:$0x3FA6]  }
0x30: {  	s3 =	sld [smem:$0x3FA9]  }
0x31: {  	[smem:$0x3FB2] =	sst s10  }
0x32: {  	s10 =	sld [smem:$0x3FB0];
	_ =	sdelay $0x3  }
0x33: {  	p0 =	seq.s32 s10, $0x1;
	s10 =	sld [smem:$0x3FB2];
	_ =	sdelay $0x3  }
0x34: {  	[smem:$0x3FB2] =	sst s10  }
0x35: {  	s10 =	sld [smem:$0x3FB1];
	_ =	sdelay $0x3  }
0x36: {  	p1 =	seq.s32 s10, $0x1;
	s10 =	sld [smem:$0x3FB2];
	_ =	sdelay $0x3  }
0x37: {  	[smem:$0x3FB2] =	sst s10  }
0x38: {  	s10 =	sld [smem:$0x3FB3]  }
0x39: {  	_ = 	snop;
	(pc) =	sbr.ind lr, $3  }
0x3a: {  	_ = 	snop  }
0x3b: {  	_ = 	snop  }
0x3c: {  	p2 =	seq.s32 s10, $0x1;
	s10 =	sld [smem:$0x3FB2]  }
0x3d: {  	_ =	shalt  }
0x3e: {  	_ =	shalt  }
0x3f: {  	_ =	shalt  }
0x40: {  	_ =	shalt  }
0x41: {  	_ =	shalt  }
0x42: {  	_ =	shalt  }
0x43: {  	_ =	shalt  }
0x44: {  	_ =	shalt  }
0x45: {  	_ =	shalt  }
0x46: {  	_ =	shalt  }
0x47: {  	_ =	shalt  }
0x48: {  	_ =	shalt  }
0x49: {  	_ =	shalt  }
0x4a: {  	_ =	shalt  }
0x4b: {  	_ =	shalt  }
0x4c: {  	_ =	shalt  }
0x4d: {  	_ =	shalt  }
0x4e: {  	_ =	shalt  }
0x4f: {  	_ =	shalt  }
0x50: {  	_ =	shalt  }
0x51: {  	_ =	shalt  }
0x52: {  	_ =	shalt  }
0x53: {  	_ =	shalt  }
0x54: {  	_ =	shalt  }
0x55: {  	_ =	shalt  }
0x56: {  	_ =	shalt  }
0x57: {  	_ =	shalt  }
0x58: {  	_ =	shalt  }
0x59: {  	_ =	shalt  }
0x5a: {  	_ =	shalt  }
0x5b: {  	_ =	shalt  }
0x5c: {  	_ =	shalt  }
0x5d: {  	_ =	shalt  }
0x5e: {  	_ =	shalt  }
0x5f: {  	_ =	shalt  }
0x60: {  	_ =	shalt  }
0x61: {  	_ =	shalt  }
0x62: {  	_ =	shalt  }
0x63: {  	_ =	shalt  }
0x64: {  	_ =	shalt  }
0x65: {  	_ =	shalt  }
0x66: {  	_ =	shalt  }
0x67: {  	_ =	shalt  }
0x68: {  	_ =	shalt  }
0x69: {  	_ =	shalt  }
0x6a: {  	_ =	shalt  }
0x6b: {  	_ =	shalt  }
0x6c: {  	_ =	shalt  }
0x6d: {  	_ =	shalt  }
0x6e: {  	_ =	shalt  }
0x6f: {  	_ =	shalt  }
0x70: {  	_ =	shalt  }
0x71: {  	_ =	shalt  }
0x72: {  	_ =	shalt  }
0x73: {  	_ =	shalt  }
0x74: {  	_ =	shalt  }
0x75: {  	_ =	shalt  }
0x76: {  	_ =	shalt  }
0x77: {  	_ =	shalt  }
0x78: {  	_ =	shalt  }
0x79: {  	_ =	shalt  }
0x7a: {  	_ =	shalt  }
0x7b: {  	_ =	shalt  }
0x7c: {  	_ =	shalt  }
0x7d: {  	_ =	shalt  }
0x7e: {  	_ =	shalt  }
0x7f: {  	_ =	shalt  }
0x80: {  	_ =	shalt  }
0x81: {  	_ =	shalt  }
0x82: {  	_ =	shalt  }
0x83: {  	_ =	shalt  }
0x84: {  	_ =	shalt  }
0x85: {  	_ =	shalt  }
0x86: {  	_ =	shalt  }
0x87: {  	_ =	shalt  }
.Lfunc_end0:
.L_simem_size_0:
called_computation_lowered:
.L_overlay_start_0:
0x88: {  	s2 =	sld [smem:$0x3FD9]  }
0x89: {  	s3 =	sld [smem:$0x3FFE];
	_ =	sdelay $0x1  }
0x8a: {  	s1 =	srdreg.scid  }
0x8b: {  	s0 =	sand.u32 $0x1, s1  }
0x8c: {  	s17 =	sshll.u32 s0, $0xA;
	s2 =	sadd.s32 s3, s2  }
0x8d: {  	s2 =	sadd.s32 s2, s17  }
0x8e: {  	[smem:$0x3FBE] =	sst s2  }
0x8f: {  	_ = 	snop  }
0x90: {  	s2 =	sld [smem:$0x3FD0];
	(tm) =	ssettm $0x1  }
0x91: {  	s18 =	sld [smem:$0x3FFB];
	_ =	sdelay $0x3  }
0x92: {  	_ =	strace s18  }
0x93: {  	s3 =	sld [smem:$0x3FFC];
	_ =	sdelay $0x3  }
0x94: {  	_ =	strace s3  }
0x95: {  	s3 =	sld [smem:$0x3FFD];
	_ =	sdelay $0x3  }
0x96: {  	_ =	strace s3  }
0x97: {  	_ =	strace $0x8FFFFFFF  }
0x98: {  	s19 =	sld [smem:$0x3FDB];
	_ =	sdelay $0x1  }
0x99: {  	s4 =	simm.s32 $_scs_section_size  }
0x9a: {  	s5 =	simm.s32 $_size__tile_overlayer_lowered;
	s6 =	simm.s32 $_tile_overlayer_lowered  }
0x9b: {  	s22 =	simm.s32 $0x1BFF;
	s21 =	sshll.u32 s6, $0x1;
	s3 =	sadd.s32 s4, s19  }
0x9c: {  	s7 =	simm.s32 $0x0;
	s20 =	sshll.u32 s5, $0x1;
	s5 =	sadd.s32 s21, s3  }
0x9d: {  	[timem:s7], [sflag:s22] =	dma.local [hbm:s5], s20  }
0x9e: {  	_ =	swait.ge [sflag:s22], s20  }
0x9f: {  	s4 =	ssub.s32 $0x0, s20;
	[sflag:s22] =	ssyncset.done $0x0  }
0xa0: {  	[sflag:s22] =	ssyncadd.s32 s4;
	_ =	sdelay $0x1  }
0xa1: {  	s23 =	simm.s32 $0x1B8B  }
0xa2: {  	_ =	swait.ge [sflag:s23], $0x1  }
0xa3: {  	[sflag:s23] =	ssyncset.done $0x0  }
0xa4: {  	s25 =	simm.s32 $0x1B8E;
	s24 =	sld [smem:$0x3FFE];
	[sflag:s23] =	ssyncadd.s32 $0xFFFFFFFF  }
0xa5: {  	s26 =	simm.s32 $execute0_lowered;
	[smem:$0x3FD2] =	sst s25  }
0xa6: {  	s5 =	sshll.u32 s26, $0x1;
	_ =	strace $0x80000046;
	[dreg:$0x1] =	wrdreg $0xFFFFFFFF  }
0xa7: {  	s28 =	simm.s32 $_size_execute0_lowered;
	s3 =	sadd.s32 s3, s5;
	[dreg:$0x0] =	wrdreg $0x0  }
0xa8: {  	s5 =	sshll.u32 s28, $0x1;
	[dreg:$0x2] =	wrdreg s3  }
0xa9: {  	[dreg:$0x3] =	wrdreg s5  }
0xaa: {  	[dreg:$0x4] =	wrdreg $0xC0  }
0xab: {  	_ =	task [dreg:s7], $0x5FFFF  }
0xac: {  	[dreg:$0x1] =	wrdreg $0xFFFFFFFF  }
0xad: {  	[dreg:$0x0] =	wrdreg $0x60  }
0xae: {  	[dreg:$0x2] =	wrdreg s24  }
0xaf: {  	[dreg:$0x3] =	wrdreg s2  }
0xb0: {  	[dreg:$0x4] =	wrdreg $0x29000  }
0xb1: {  	[dreg:$0x5] =	wrdreg $0x9  }
0xb2: {  	_ =	task.clear_ibuf [dreg:s7], $0x6FFFF;
	_ =	strace $0x90000046  }
0xb3: {  	s29 =	simm.s32 $0x9;
	_ =	strace $0x80000048  }
0xb4: {  	_ =	swait.ge [sflag:s29], $0x1  }
0xb5: {  	[sflag:s29] =	ssyncadd.s32 $0xFFFFFFFF  }
0xb6: {  	_ =	strace $0x90000048  }
0xb7: {  	_ =	sfence  }
0xb8: {  	s30 =	sld [smem:$0x0];
	_ =	sdelay $0x2  }
0xb9: {  	s31 =	sshll.u32 s1, $0xD;
	s1 =	sshrl.u32 s1, $0x2  }
0xba: {  	s3 =	sand.u32 $0x4000, s31;
	s1 =	sadd.s32 s1, s30  }
0xbb: {  	s0 =	sor.u32 s3, s0;
	s1 =	sshll.u32 s1, $0x11  }
0xbc: {  	s0 =	sor.u32 s1, s0  }
0xbd: {  	s0 =	sadd.s32 $0x8F2B, s0  }
0xbe: {  	[sflag:s0] =	ssyncadd.remote.s32 $0x1  }
0xbf: {  	_ =	sfence.sel $0xFFFF  }
0xc0: {  	[dreg:$0x0] =	wrdreg $0xFFFFFFFF;
	(pc) =	sbr.abs _section_cstart, $3  }
0xc1: {  	[dreg:$0x1] =	wrdreg $0xFFFFFFFF  }
0xc2: {  	_ =	task.clear_ibuf [dreg:s7], $0x2FFFF;
	_ =	strace $0x9FFFFFFF  }
0xc3: {  	(tm) =	ssettm $0x7FFFFFFF  }
tec
execute0_lowered:
.L_overlay_start_1:
0x0: {  	(tag) =	ssettag $0x1  }
0x1: {  	s5 =	rddreg [dreg:$0x0]  }
0x2: {  	s7 =	rddreg [dreg:$0x1]  }
0x3: {  	s1 =	rddreg [dreg:$0x2]  }
0x4: {  	s0 =	rddreg [dreg:$0x3];
	s2 =	simm.s32 $0x0  }
0x5: {  	s6 =	srdreg.scid;
	s14 =	stileid.u32;
	s20 =	simm.s32 $0x50  }
0x6: {  	s21 =	simm.s32 $0x4;
	[smem:$0x7FF] =	sst s2;
	s3 =	sadd.s32 $0x3600, s5  }
0x7: {  	s4 =	sadd.s32 $0x17200, s5;
	s8 =	sand.u32 $0x1, s6;
	s9 =	smul.u32 $0x2700, s14  }
0x8: {  	s22 =	sshll.u32 s14, $0x1;
	s11 =	smul.u32 $0x4E000, s14;
	s12 =	sadd.s32 $0x17800, s5  }
0x9: {  	s26 =	sshll.u32 s14, $0x6;
	s17 =	smul.u32 $0x4E20, s14;
	s18 =	sadd.s32 $0x138000, s1  }
0xa: {  	p0 =	sne.s32 s14, $0x0;
	_ =	strace $0x80000047;
	s25 =	smul.u32 $0x27100, s8  }
0xb: {  	s10 =	ssub.s32 $0x2, s8;
	s6 =	sor.u32 s8, s22;
	s28 =	smul.u32 $0x138800, s8  }
0xc: {  	s19 =	smul.u32 $0x2710, s8;
	s22 =	simm.s32 $0x2;
	s23 =	sshrl.u32 s10, $0x1  }
0xd: {  	s13 =	smul.u32 $0x2710, s6;
	s24 =	sshrl.u32 s11, $0x2;
	s5 =	sadd.s32 s7, s9  }
0xe: {  	s6 =	sor.u32 $0x1C03, s26;
	s7 =	sadd.s32 $0x27000, s7;
	s15 =	ssub.s32 s10, s23  }
0xf: {  	s16 =	sadd.s32 s24, s1;
	s11 =	sshrl.u32 s28, $0x3;
	s9 =	sadd.s32 s9, s25  }
0x10: {  	s30 =	sadd.s32 s19, s17;
	s19 =	simm.s32 $0x80;
	s23 =	simm.s32 $0x0  }
0x11: {  	s13 =	sshrl.u32 s13, $0x3;
	s29 =	sadd.s32 s12, s11;
	s9 =	sadd.s32 s12, s9  }
0x12: {  	s17 =	sadd.s32 $0x50, s30;
	s11 =	smax.u32 s15, $0x1;
	s12 =	sadd.s32 $0xA0, s30  }
0x13: {  	s14 =	sshrl.u32 s16, $0x3;
	s15 =	simm.s32 $0x3;
	s16 =	simm.s32 $0x100  }
0x14: {  	s8 =	sadd.s32 s3, s13;
	s10 =	sadd.s32 $0x27000, s29;
	s31 =	sshrl.u32 s17, $0x3  }
0x15: {  	s17 =	sshrl.u32 @!p0 s18, $0x3;
	s18 =	simm.s32 $0x1;
	s13 =	sadd.s32 s31, s3  }
.LBB2_1:
0x16: {  	[spmem:s14], [sflag:s6] =	dma.local [hbm:s5], $0x2700  }
0x17: {  	_ =	swait.ge [sflag:s15], $0x2700  }
0x18: {  	[sflag:s15] =	ssyncset.done $0x0  }
0x19: {  	[sflag:s15] =	ssyncadd.s32 $0xFFFFD900  }
0x1a: {  	[tilespmem:s16], [sflag:$0x3] =	stream.linear.gather [hbm4b:s4+s2], $0x2800, $0x38;
	[tilespmem:$0x16180] =	vst v63  }
0x1b: {  	_ =	swait.ge [sflag:s15], $0x2800  }
0x1c: {  	[sflag:s15] =	ssyncset.done $0x0  }
0x1d: {  	s24 =	simm.s32 @!p0 $0x3;
	[sflag:s15] =	ssyncadd.s32 $0xFFFFD800  }
0x1e: {  	[spmem:s17], [sflag:s6] =	dma.local @!p0 [hbm:s7], $0x100  }
0x1f: {  	_ =	swait.ge @!p0 [sflag:s24], $0x100  }
0x20: {  	[sflag:s24] =	ssyncset.done @!p0 $0x0  }
0x21: {  	[sflag:s24] =	ssyncadd.s32 @!p0 $0xFFFFFF00  }
0x22: {  	[tilespmem:s2], [sflag:$0x1] =	stream.linear.gather [hbm4b:s8+s2], $0x50, $0x38;
	[tilespmem:$0x16180] =	vst v63  }
0x23: {  	[bflag:$0x0] =	sbarrier.arrive $0xFFFF  }
0x24: {  	_ =	swait.ge [sflag:s18], $0x50  }
0x25: {  	[sflag:s18] =	ssyncset.done $0x0  }
0x26: {  	s30 =	sadd.s32 $0x0, s13;
	[sflag:s18] =	ssyncadd.s32 $0xFFFFFFB0  }
0x27: {  	[tilespmem:s19], [sflag:$0x2] =	stream.linear.gather [hbm4b:s30+s2], $0x50, $0x38;
	[tilespmem:$0x16180] =	vst v63  }
0x28: {  	_ = 	snop  }
0x29: {  	[spmem:s1] =	stream.indirect.scatter.add.f32 [tilespmem:s16], [sflag:$0x4], $0x80, s2, s20, $0xb8;
	[tilespmem:$0x16180] =	vst v63  }
0x2a: {  	_ =	swait.ge [sflag:s21], $0x2800  }
0x2b: {  	s31 =	sshrl.u32 s12, $0x3;
	[sflag:s21] =	ssyncset.done $0x0  }
0x2c: {  	s24 =	sadd.s32 s3, s31;
	[sflag:s21] =	ssyncadd.s32 $0xFFFFD800  }
0x2d: {  	[tilespmem:s2], [sflag:$0x1] =	stream.linear.gather [hbm4b:s24+s2], $0x50, $0x38;
	[tilespmem:$0x16180] =	vst v63  }
0x2e: {  	_ =	swait.ge [sflag:s22], $0x50  }
0x2f: {  	[sflag:s22] =	ssyncset.done $0x0  }
0x30: {  	[sflag:s22] =	ssyncadd.s32 $0xFFFFFFB0  }
0x31: {  	[spmem:s1] =	stream.indirect.scatter.add.f32 [tilespmem:s16], [sflag:$0x3], $0x80, s19, s20, $0xb8;
	[tilespmem:$0x16180] =	vst v63  }
0x32: {  	_ =	swait.ge [sflag:s15], $0x2800  }
0x33: {  	s25 =	smov.u32 s12;
	s24 =	simm.s32 $0x14;
	[sflag:s15] =	ssyncset.done $0x0  }
.LBB2_2:
0x34: {  	p1 =	sne.s32 s24, $0x4C4;
	[sflag:s15] =	ssyncadd.s32 $0xFFFFD800;
	s25 =	sadd.s32 $0xA0, s25  }
0x35: {  	s26 =	smov.u32 s24;
	s24 =	sadd.s32 $0x14, s24;
	_ =	swait.ge [sflag:s18], $0x50  }
0x36: {  	[sflag:s18] =	ssyncset.done $0x0  }
0x37: {  	s26 =	sadd.s32 s26, s13;
	[sflag:s18] =	ssyncadd.s32 $0xFFFFFFB0  }
0x38: {  	[tilespmem:s19], [sflag:$0x2] =	stream.linear.gather [hbm4b:s26+s2], $0x50, $0x38;
	[tilespmem:$0x16180] =	vst v63  }
0x39: {  	_ = 	snop  }
0x3a: {  	[spmem:s1] =	stream.indirect.scatter.add.f32 [tilespmem:s16], [sflag:$0x4], $0x80, s2, s20, $0xb8;
	[tilespmem:$0x16180] =	vst v63  }
0x3b: {  	_ =	swait.ge [sflag:s21], $0x2800  }
0x3c: {  	s26 =	sshrl.u32 s25, $0x3;
	[sflag:s21] =	ssyncset.done $0x0  }
0x3d: {  	s26 =	sadd.s32 s3, s26;
	[sflag:s21] =	ssyncadd.s32 $0xFFFFD800  }
0x3e: {  	[tilespmem:s2], [sflag:$0x1] =	stream.linear.gather [hbm4b:s26+s2], $0x50, $0x38;
	[tilespmem:$0x16180] =	vst v63  }
0x3f: {  	_ =	swait.ge [sflag:s22], $0x50  }
.Ltmp0:
0x40: {  	[sflag:s22] =	ssyncset.done $0x0;
	(pc) =	sbr.rel @p1 .LBB2_2-.Ltmp0, $4  }
0x41: {  	[sflag:s22] =	ssyncadd.s32 $0xFFFFFFB0  }
0x42: {  	[spmem:s1] =	stream.indirect.scatter.add.f32 [tilespmem:s16], [sflag:$0x3], $0x80, s19, s20, $0xb8;
	[tilespmem:$0x16180] =	vst v63  }
0x43: {  	_ =	swait.ge [sflag:s15], $0x2800  }
0x44: {  	[sflag:s15] =	ssyncset.done $0x0  }
0x45: {  	[sflag:s15] =	ssyncadd.s32 $0xFFFFD800  }
0x46: {  	_ =	swait.ge [sflag:s18], $0x50  }
0x47: {  	[sflag:s18] =	ssyncset.done $0x0  }
0x48: {  	[sflag:s18] =	ssyncadd.s32 $0xFFFFFFB0  }
0x49: {  	[spmem:s1] =	stream.indirect.scatter.add.f32 [tilespmem:s16], [sflag:$0x4], $0x80, s2, s20, $0xb8;
	[tilespmem:$0x16180] =	vst v63  }
0x4a: {  	_ =	swait.ge [sflag:s21], $0x2800  }
0x4b: {  	[sflag:s21] =	ssyncset.done $0x0  }
0x4c: {  	[sflag:s21] =	ssyncadd.s32 $0xFFFFD800  }
0x4d: {  	[bflag:$0x0] =	sbarrier.arrive $0xFFFF  }
0x4e: {  	[hbm:s9], [sflag:s6] =	dma.local [spmem:s14], $0x2700  }
0x4f: {  	s23 =	sadd.s32 $0x1, s23;
	_ =	swait.ge [sflag:s15], $0x2700  }
0x50: {  	p1 =	sne.s32 s23, s11;
	[sflag:s15] =	ssyncset.done $0x0  }
.Ltmp1:
0x51: {  	s24 =	simm.s32 @!p0 $0x3;
	[sflag:s15] =	ssyncadd.s32 $0xFFFFD900;
	(pc) =	sbr.rel @p1 .LBB2_1-.Ltmp1, $4  }
0x52: {  	[hbm:s10], [sflag:s6] =	dma.local @!p0 [spmem:s17], $0x100  }
0x53: {  	_ =	swait.ge @!p0 [sflag:s24], $0x100  }
0x54: {  	[sflag:s24] =	ssyncset.done @!p0 $0x0  }
0x55: {  	[sflag:s24] =	ssyncadd.s32 @!p0 $0xFFFFFF00  }
0x56: {  	_ =	sfence.sel $0x180000  }
0x57: {  	[bflag:$0x0] =	sbarrier.arrive $0xFFFF  }
0x58: {  	_ =	strace $0x90000047  }
0x59: {  	s0 =	sadd.s32 @!p0 $0x100000, s0;
	[bflag:$0x2] =	sbarrier.arrive $0xFFFF  }
0x5a: {  	[sflag:s0] =	ssyncadd.tile.s32 @!p0 $0x1;
	_ =	shalt  }
.Lfunc_end2:
_tile_overlayer_lowered:
.L_overlay_start_2:
0x5b: {  	(tag) =	ssettag $0x2  }
0x5c: {  	s0 =	rddreg [dreg:$0x0];
	s2 =	stileid.u32  }
0x5d: {  	s1 =	rddreg [dreg:$0x1];
	p0 =	sne.s32 s2, $0x0  }
0x5e: {  	s3 =	rddreg [dreg:$0x2];
	[bflag:$0x3] =	sbarrier.arrive $0xFFFF;
	s2 =	simm.s32 @!p0 $0x1C03  }
0x5f: {  	[timem:s3], [sflag:s2] =	dma.local @!p0 [hbm:s0], s1  }
0x60: {  	s0 =	simm.s32 @!p0 $0x3  }
0x61: {  	_ =	swait.ge @!p0 [sflag:s0], s1  }
0x62: {  	s1 =	ssub.s32 @!p0 $0x0, s1;
	[sflag:s0] =	ssyncset.done @!p0 $0x0  }
0x63: {  	[sflag:s0] =	ssyncadd.s32 @!p0 s1  }
0x64: {  	[bflag:$0x3] =	sbarrier.arrive $0xFFFF  }
0x65: {  	_ =	shalt  }

</sc_bundles>
